<compile_context>
chip_gen: v7x
topology: tpu7x:2x2x1
jax: 0.10.2.dev20260603
libtpu: 0.0.44.dev20260713+nightly
codegen_flags: <defaults>
</compile_context>

<pallas_src>
import functools

import jax
import jax.numpy as jnp
from jax import lax
from jax.experimental import pallas as pl
from jax.experimental.pallas import tpu as pltpu
from jax.experimental.pallas import tpu_sc as plsc

N = 10000
E = 320000
IN_CH = 128
HID = 64
HID2 = 128
NUM_GRAPHS = 128
OUT_CH = 16

CHUNK = 128
NCHUNK = E // CHUNK
NWORK = 32
NITER = -(-NCHUNK // NWORK)
TROWS = 624
TAIL = N - 16 * TROWS
ZROWS = 104


def _sc_conv_body(h_hbm, src_hbm, dst_hbm, ea_hbm, out_hbm,
                  src_v, dst_v, rows_v, ea_v, zero_v, aggr_sh, sem):
    c = lax.axis_index("c")
    s = lax.axis_index("s")
    w = s * 2 + c

    def zb(j, carry):
        for l in range(8):
            zero_v[j, pl.ds(l * 16, 16)] = jnp.zeros((16,), jnp.float32)
        return carry
    lax.fori_loop(0, ZROWS, zb, 0)
    base = s * TROWS
    for i in range(6):
        pltpu.sync_copy(zero_v, aggr_sh.at[pl.ds(base + i * ZROWS, ZROWS)])

    @pl.when(s == 15)
    def _():
        pltpu.sync_copy(zero_v.at[pl.ds(0, TAIL)], aggr_sh.at[pl.ds(16 * TROWS, TAIL)])
    plsc.subcore_barrier()

    def chunk_body(k, carry):
        chunk = w + NWORK * k

        @pl.when(chunk < NCHUNK)
        def _():
            e0 = chunk * CHUNK
            pltpu.sync_copy(src_hbm.at[pl.ds(e0, CHUNK)], src_v)
            pltpu.sync_copy(dst_hbm.at[pl.ds(e0, CHUNK)], dst_v)
            cp = pltpu.async_copy(h_hbm.at[src_v], rows_v, sem)
            pltpu.sync_copy(ea_hbm.at[pl.ds(e0, CHUNK)], ea_v)
            cp.wait()

            def rb(j, cc):
                for l in range(8):
                    e = ea_v[j, pl.ds((l % 4) * 16, 16)]
                    sl = pl.ds(l * 16, 16)
                    rows_v[j, sl] = jnp.maximum(rows_v[j, sl] + e, 0.0)
                return cc
            lax.fori_loop(0, CHUNK, rb, 0)
            pltpu.sync_copy(rows_v, aggr_sh.at[dst_v], add=True)
        return carry
    lax.fori_loop(0, NITER, chunk_body, 0)
    plsc.subcore_barrier()

    pltpu.sync_copy(aggr_sh.at[pl.ds(base, TROWS)], out_hbm.at[c, pl.ds(base, TROWS)])

    @pl.when(s == 15)
    def _():
        pltpu.sync_copy(aggr_sh.at[pl.ds(16 * TROWS, TAIL)],
                        out_hbm.at[c, pl.ds(16 * TROWS, TAIL)])


@functools.lru_cache(maxsize=None)
def _get_sc_conv():
    mesh = plsc.VectorSubcoreMesh(core_axis_name="c", subcore_axis_name="s",
                                  num_cores=2, num_subcores=16)
    return pl.kernel(
        _sc_conv_body,
        out_type=jax.ShapeDtypeStruct((2, N, HID2), jnp.float32),
        mesh=mesh,
        scratch_types=[
            pltpu.VMEM((CHUNK,), jnp.int32),
            pltpu.VMEM((CHUNK,), jnp.int32),
            pltpu.VMEM((CHUNK, HID2), jnp.float32),
            pltpu.VMEM((CHUNK, HID), jnp.float32),
            pltpu.VMEM((ZROWS, HID2), jnp.float32),
            pltpu.VMEM_SHARED((N, HID2), jnp.float32),
            pltpu.SemaphoreType.DMA,
        ],
    )


def _sc_conv(hcat, src, dst, ea):
    return _get_sc_conv()(hcat, src, dst, ea)


def _prep_body(x_ref, wenc_ref, benc_ref, gn_ref, bn_ref, hcat_ref):
    xx = x_ref[...]
    hh = jnp.dot(xx, wenc_ref[...], preferred_element_type=jnp.float32) + benc_ref[...]
    m = jnp.mean(hh, axis=0, keepdims=True)
    v = jnp.mean((hh - m) ** 2, axis=0, keepdims=True)
    h = (hh - m) * lax.rsqrt(v + 1e-5) * gn_ref[...] + bn_ref[...]
    hcat_ref[...] = jnp.concatenate([h, h], axis=1)

def _prep(x, p):
    r1 = lambda a: a.reshape(1, -1)
    return pl.pallas_call(
        _prep_body,
        out_shape=jax.ShapeDtypeStruct((N, HID2), jnp.float32),
    )(x, p["enc"][0], r1(p["enc"][1]),
      r1(p["bn_node"][0]), r1(p["bn_node"][1]))


EA_BLK = 8000


def _ea_embed_body(ea_ref, we_ref, be_ref, y_ref, stats_ref, acc):
    i = pl.program_id(0)
    u = ea_ref[...] + 1.0
    y = jnp.dot(u, we_ref[...], preferred_element_type=jnp.float32) + be_ref[...]
    y_ref[...] = y

    @pl.when(i == 0)
    def _():
        acc[2:3] = jnp.mean(y, axis=0, keepdims=True)
        acc[0:2] = jnp.zeros((2, HID), jnp.float32)
        acc[3:5] = jnp.zeros((2, HID), jnp.float32)
    c = acc[2:3]
    yc = y - c
    s1 = jnp.sum(yc, axis=0, keepdims=True)
    s2 = jnp.sum(yc * yc, axis=0, keepdims=True)
    blk = jnp.concatenate([s1, s2], axis=0)
    a0 = acc[0:2]
    x0 = blk - acc[3:5]
    t = a0 + x0
    acc[3:5] = (t - a0) - x0
    acc[0:2] = t
    stats_ref[...] = acc[0:3]


def _ea_embed(edge_attr, p):
    We, be = p["emb"]
    return pl.pallas_call(
        _ea_embed_body,
        grid=(E // EA_BLK,),
        in_specs=[pl.BlockSpec((EA_BLK, 4), lambda i: (i, 0)),
                  pl.BlockSpec((4, HID), lambda i: (0, 0)),
                  pl.BlockSpec((1, HID), lambda i: (0, 0))],
        out_specs=(pl.BlockSpec((EA_BLK, HID), lambda i: (i, 0)),
                   pl.BlockSpec((3, HID), lambda i: (0, 0))),
        out_shape=(jax.ShapeDtypeStruct((E, HID), jnp.float32),
                   jax.ShapeDtypeStruct((3, HID), jnp.float32)),
        scratch_shapes=[pltpu.VMEM((5, HID), jnp.float32)],
    )(edge_attr, We, be.reshape(1, HID))


def _ea_norm_body(y_ref, stats_ref, g_ref, b_ref, out_ref):
    st = stats_ref[...]
    c = st[2:3]
    d1 = st[0:1] / float(E)
    mu = c + d1
    var = st[1:2] / float(E) - d1 * d1
    rs = lax.rsqrt(var + 1e-5)
    out_ref[...] = (y_ref[...] - mu) * rs * g_ref[...] + b_ref[...]


def _ea_norm(y, stats, p):
    g, b = p["bn_edge"]
    return pl.pallas_call(
        _ea_norm_body,
        grid=(E // EA_BLK,),
        in_specs=[pl.BlockSpec((EA_BLK, HID), lambda i: (i, 0)),
                  pl.BlockSpec((3, HID), lambda i: (0, 0)),
                  pl.BlockSpec((1, HID), lambda i: (0, 0)),
                  pl.BlockSpec((1, HID), lambda i: (0, 0))],
        out_specs=pl.BlockSpec((EA_BLK, HID), lambda i: (i, 0)),
        out_shape=jax.ShapeDtypeStruct((E, HID), jnp.float32),
    )(y, stats, g.reshape(1, HID), b.reshape(1, HID))


def _mlp_body(h_ref, ag_ref, epsl_ref, w1l_ref, b1l_ref, w2l_ref, b2l_ref,
              epsg_ref, w1g_ref, b1g_ref, w2g_ref, b2g_ref, out_ref):
    hl = h_ref[:, 0:HID]
    hg = h_ref[:, HID:HID2]
    al = ag_ref[0, :, 0:HID] + ag_ref[1, :, 0:HID]
    ag_ = ag_ref[0, :, HID:HID2] + ag_ref[1, :, HID:HID2]

    def half(h, a, eps, w1, b1, w2, b2):
        z = (1.0 + eps) * h + a
        z = jnp.maximum(jnp.dot(z, w1, preferred_element_type=jnp.float32) + b1, 0.0)
        z = jnp.dot(z, w2, preferred_element_type=jnp.float32) + b2
        return jnp.maximum(z, 0.0)

    yl = half(hl, al, epsl_ref[...], w1l_ref[...], b1l_ref[...],
              w2l_ref[...], b2l_ref[...])
    yg = half(hg, ag_, epsg_ref[...], w1g_ref[...], b1g_ref[...],
              w2g_ref[...], b2g_ref[...])
    out_ref[...] = jnp.concatenate([yl, yg], axis=1)


def _mlp(hcat, ag, lpl, lpg):
    r1 = lambda a: a.reshape(1, -1)
    return pl.pallas_call(
        _mlp_body,
        out_shape=jax.ShapeDtypeStruct((N, HID2), jnp.float32),
    )(hcat, ag,
      lpl["eps"].reshape(1, 1), lpl["W1"], r1(lpl["b1"]), lpl["W2"], r1(lpl["b2"]),
      lpg["eps"].reshape(1, 1), lpg["W1"], r1(lpg["b1"]), lpg["W2"], r1(lpg["b2"]))


def _head_body(h2_ref, h3_ref, batch_ref,
               g0g_ref, b0g_ref, wg_ref, bg_ref,
               g0l_ref, b0l_ref, wl_ref, bl_ref,
               wm1_ref, bm1_ref, wm2_ref, bm2_ref,
               gs_ref, bs_ref, w2_ref, b2_ref,
               g2_ref, b2b_ref, wc_ref, bc_ref,
               logits_ref, mi_ref):
    xlc = jnp.concatenate([h2_ref[:, 0:HID], h3_ref[:, 0:HID]], axis=1)
    xgc = jnp.concatenate([h2_ref[:, HID:HID2], h3_ref[:, HID:HID2]], axis=1)
    b = batch_ref[...]
    gids = lax.broadcasted_iota(jnp.int32, (N, NUM_GRAPHS), 1)
    oh = (b == gids).astype(jnp.float32)

    def pool(v):
        return lax.dot_general(oh, v, (((0,), (0,)), ((), ())),
                               preferred_element_type=jnp.float32,
                               precision=lax.Precision.HIGHEST)

    def bn(v, g, bb):
        m = jnp.mean(v, axis=0, keepdims=True)
        var = jnp.mean((v - m) ** 2, axis=0, keepdims=True)
        return (v - m) * lax.rsqrt(var + 1e-5) * g + bb

    xg = pool(xgc)
    xg = bn(xg, g0g_ref[...], b0g_ref[...])
    xg = jnp.maximum(jnp.dot(xg, wg_ref[...],
                             preferred_element_type=jnp.float32) + bg_ref[...], 0.0)
    xl = pool(xlc)
    xl = bn(xl, g0l_ref[...], b0l_ref[...])
    xl = jnp.maximum(jnp.dot(xl, wl_ref[...],
                             preferred_element_type=jnp.float32) + bl_ref[...], 0.0)

    xg_roll = jnp.concatenate([xg[NUM_GRAPHS - 1:, :], xg[:NUM_GRAPHS - 1, :]], axis=0)
    joint = jnp.concatenate([xl, xg], axis=1)
    marg = jnp.concatenate([xl, xg_roll], axis=1)

    def T(z):
        h1 = jnp.maximum(jnp.dot(z, wm1_ref[...],
                                 preferred_element_type=jnp.float32) + bm1_ref[...], 0.0)
        return jnp.dot(h1, wm2_ref[...],
                       preferred_element_type=jnp.float32) + bm2_ref[...]

    mi = jnp.mean(T(joint)) - jnp.log(jnp.mean(jnp.exp(T(marg))) + 1e-8)
    mi_ref[...] = jnp.reshape(mi, (1, 1))

    z = xl + xg
    z = bn(z, gs_ref[...], bs_ref[...])
    z = jnp.maximum(jnp.dot(z, w2_ref[...],
                            preferred_element_type=jnp.float32) + b2_ref[...], 0.0)
    z = bn(z, g2_ref[...], b2b_ref[...])
    logits_ref[...] = jnp.dot(z, wc_ref[...],
                              preferred_element_type=jnp.float32) + bc_ref[...]


def _head(h2, h3, batch, p):
    r1 = lambda a: a.reshape(1, -1)
    args = (h2, h3, batch.reshape(N, 1),
            r1(p["bn0_glob"][0]), r1(p["bn0_glob"][1]),
            p["glob_lin1"][0], r1(p["glob_lin1"][1]),
            r1(p["bn0_loc"][0]), r1(p["bn0_loc"][1]),
            p["loc_lin1"][0], r1(p["loc_lin1"][1]),
            p["mine1"][0], r1(p["mine1"][1]),
            p["mine2"][0], r1(p["mine2"][1]),
            r1(p["bn_sum"][0]), r1(p["bn_sum"][1]),
            p["lin2"][0], r1(p["lin2"][1]),
            r1(p["bn2"][0]), r1(p["bn2"][1]),
            p["clf"][0], r1(p["clf"][1]))
    logits, mi = pl.pallas_call(
        _head_body,
        out_shape=(jax.ShapeDtypeStruct((NUM_GRAPHS, OUT_CH), jnp.float32),
                   jax.ShapeDtypeStruct((1, 1), jnp.float32)),
    )(*args)
    return logits, mi[0, 0]


def kernel(x, edge_index, edge_attr, batch, params):
    p = params
    src = edge_index[0]
    dst = edge_index[1]

    hcat1 = _prep(x, p)
    y, stats = _ea_embed(edge_attr, p)
    ea = _ea_norm(y, stats, p)

    ag1 = _sc_conv(hcat1, src, dst, ea)
    h2 = _mlp(hcat1, ag1, p["local"][0], p["global"][0])

    ag2 = _sc_conv(h2, src, dst, ea)
    h3 = _mlp(h2, ag2, p["local"][1], p["global"][1])

    logits, mi = _head(h2, h3, batch, p)
    return (logits, mi)

# --- scband reference (transcript-rebuilt; emitter-appended) ---
"""Pipeline reference for scband-gnn-net-graph-27376121544728 (READ-ONLY COPY).

The authoritative reference and input builder live on the scoring server;
editing this copy changes nothing except your own understanding.
"""

import jax, jax.numpy as jnp
import numpy as np

N = 10000
E = 320000
IN_CH = 128
HID = 64
DEPTH = 2
EDGE_DIM = 4
NUM_GRAPHS = 128
OUT_CH = 16


def _lin(key, fan_in, fan_out):
    k1, k2 = jax.random.split(key)
    s = 1.0 / np.sqrt(fan_in)
    W = jax.random.uniform(k1, (fan_in, fan_out), minval=-s, maxval=s, dtype=jnp.float32)
    b = jax.random.uniform(k2, (fan_out,), minval=-s, maxval=s, dtype=jnp.float32)
    return (W, b)


def _gine_layer(key, dim):
    k1, k2 = jax.random.split(key)
    W1, b1 = _lin(k1, dim, dim)
    W2, b2 = _lin(k2, dim, dim)
    return {"eps": jnp.float32(0.0), "W1": W1, "b1": b1, "W2": W2, "b2": b2}


def setup_inputs(seed: int = 0):
    key = jax.random.key(seed)
    ks = jax.random.split(key, 16)
    x = jax.random.normal(ks[0], (N, IN_CH), dtype=jnp.float32)
    edge_index = jax.random.randint(ks[1], (2, E), 0, N, dtype=jnp.int32)
    edge_attr = jax.random.uniform(ks[2], (E, EDGE_DIM), dtype=jnp.float32)
    batch = jnp.sort(jax.random.randint(ks[3], (N,), 0, NUM_GRAPHS, dtype=jnp.int32))
    params = {
        "enc": _lin(ks[4], IN_CH, HID),
        "bn_node": (jnp.ones(HID, jnp.float32), jnp.zeros(HID, jnp.float32)),
        "emb": _lin(ks[5], EDGE_DIM, HID),
        "bn_edge": (jnp.ones(HID, jnp.float32), jnp.zeros(HID, jnp.float32)),
        "local": [_gine_layer(jax.random.fold_in(ks[6], i), HID) for i in range(DEPTH)],
        "global": [_gine_layer(jax.random.fold_in(ks[7], i), HID) for i in range(DEPTH)],
        "glob_lin1": _lin(ks[8], HID * DEPTH, HID),
        "bn0_glob": (jnp.ones(HID * DEPTH, jnp.float32), jnp.zeros(HID * DEPTH, jnp.float32)),
        "loc_lin1": _lin(ks[9], HID * DEPTH, HID),
        "bn0_loc": (jnp.ones(HID * DEPTH, jnp.float32), jnp.zeros(HID * DEPTH, jnp.float32)),
        "mine1": _lin(ks[10], 2 * HID, HID),
        "mine2": _lin(ks[11], HID, 1),
        "bn_sum": (jnp.ones(HID, jnp.float32), jnp.zeros(HID, jnp.float32)),
        "lin2": _lin(ks[12], HID, 64),
        "bn2": (jnp.ones(64, jnp.float32), jnp.zeros(64, jnp.float32)),
        "clf": _lin(ks[13], 64, OUT_CH),
    }
    return {"x": x, "edge_index": edge_index, "edge_attr": edge_attr, "batch": batch, "params": params}


def _bn(x, gb):
    g, b = gb
    m = jnp.mean(x, axis=0)
    v = jnp.var(x, axis=0)
    return (x - m) / jnp.sqrt(v + 1e-5) * g + b


def _gine_conv(x, src, dst, ea, p):
    # GINEConv: aggr_i = sum_j relu(x_j + e_ji); out = MLP((1+eps)*x_i + aggr_i)
    msg = jax.nn.relu(x[src] + ea)
    aggr = jnp.zeros_like(x).at[dst].add(msg)
    h = (1.0 + p["eps"]) * x + aggr
    h = jax.nn.relu(h @ p["W1"] + p["b1"])
    h = h @ p["W2"] + p["b2"]
    return h


def _gine_net(x, src, dst, ea, layers):
    xs = []
    for p in layers:
        x = jax.nn.relu(_gine_conv(x, src, dst, ea, p))
        xs.append(x)
    return jnp.concatenate(xs, axis=-1)


def _mine(xl, xg, params):
    W1, b1 = params["mine1"]
    W2, b2 = params["mine2"]
    def T(z):
        return jax.nn.relu(z @ W1 + b1) @ W2 + b2
    joint = jnp.concatenate([xl, xg], axis=-1)
    marg = jnp.concatenate([xl, jnp.roll(xg, 1, axis=0)], axis=-1)
    return jnp.mean(T(joint)) - jnp.log(jnp.mean(jnp.exp(T(marg))) + 1e-8)


def _forward(x, edge_attr, params, edge_index, batch):
    src = edge_index[0]
    dst = edge_index[1]
    ea = edge_attr + 1.0
    W, b = params["enc"]
    h = x @ W + b
    h = _bn(h, params["bn_node"])
    We, be = params["emb"]
    ea = ea @ We + be
    ea = _bn(ea, params["bn_edge"])
    xl = _gine_net(h, src, dst, ea, params["local"])
    xg = _gine_net(h, src, dst, ea, params["global"])
    xg = jax.ops.segment_sum(xg, batch, num_segments=NUM_GRAPHS)
    xg = _bn(xg, params["bn0_glob"])
    Wg, bg = params["glob_lin1"]
    xg = jax.nn.relu(xg @ Wg + bg)
    xl = jax.ops.segment_sum(xl, batch, num_segments=NUM_GRAPHS)
    xl = _bn(xl, params["bn0_loc"])
    Wl, bl = params["loc_lin1"]
    xl = jax.nn.relu(xl @ Wl + bl)
    mi = _mine(xl, xg, params)
    z = xl + xg
    z = _bn(z, params["bn_sum"])
    W2, b2 = params["lin2"]
    z = jax.nn.relu(z @ W2 + b2)
    z = _bn(z, params["bn2"])
    Wc, bc = params["clf"]
    logits = z @ Wc + bc
    return (logits, mi)


def reference(x, edge_index, edge_attr, batch, params):
    return _forward(x, edge_attr, params, edge_index, batch)

if __name__ == "__main__":
    import jax
    _d = setup_inputs()
    print(jax.jit(kernel)(*tuple(_d.values())))

</pallas_src>

<mosaic_0001>
#map = affine_map<(d0, d1) -> (0, 0)>
#map1 = affine_map<(d0, d1) -> (0)>
#map2 = affine_map<(d0, d1) -> (0, 0, 0)>
module attributes {stable_mosaic.version = 14 : i64} {
  func.func @_sc_conv_body(%arg0: i32, %arg1: i32, %arg2: memref<10000x128xf32, #tpu.memory_space<hbm>>, %arg3: memref<320000xi32, #tpu.memory_space<hbm>>, %arg4: memref<320000xi32, #tpu.memory_space<hbm>>, %arg5: memref<320000x64xf32, #tpu.memory_space<hbm>>, %arg6: memref<2x10000x128xf32, #tpu.memory_space<hbm>>, %arg7: memref<128xi32, #tpu.memory_space<vmem>>, %arg8: memref<128xi32, #tpu.memory_space<vmem>>, %arg9: memref<128x128xf32, #tpu.memory_space<vmem>>, %arg10: memref<128x64xf32, #tpu.memory_space<vmem>>, %arg11: memref<104x128xf32, #tpu.memory_space<vmem>>, %arg12: memref<10000x128xf32, #tpu.memory_space<vmem_shared>>, %arg13: memref<!tpu.dma_semaphore, #tpu.memory_space<semaphore_mem>>) attributes {dimension_semantics = [#tpu.dimension_semantics<core_parallel>, #tpu.dimension_semantics<subcore_parallel>], iteration_bounds = array<i64: 2, 16>, scalar_prefetch = 0 : i64, scratch_operands = 7 : i64, tpu.core_type = #tpu.core_type<sc_vector_subcore>, window_params = [{transform_indices = #map}, {transform_indices = #map1}, {transform_indices = #map1}, {transform_indices = #map}, {transform_indices = #map2}]} {
    %mul3A = arith.constant 2 : i32
    %mul3A_0 = arith.muli %arg1, %mul3A : i32
    %add3A = arith.addi %mul3A_0, %arg0 : i32
    %scan3A = arith.constant 0 : i32
    %scan3A_1 = arith.constant 0 : i32
    %scan3A_2 = arith.constant 104 : i32
    %scan3A_3 = arith.addi %scan3A_1, %scan3A_2 : i32
    %scan3A_4 = arith.constant 1 : i32
    scf.for %scan3A_34 = %scan3A_1 to %scan3A_3 step %scan3A_4  : i32 {
      %broadcast_in_dim3A = arith.constant 0.000000e+00 : f32
      %broadcast_in_dim3A_35 = vector.broadcast %broadcast_in_dim3A : f32 to vector<16xf32>
      %swap3A = arith.index_cast %scan3A_34 : i32 to index
      %swap3A_36 = arith.constant 0 : index
      %swap3A_37 = tpu.vector_load %arg11[%swap3A, %swap3A_36] {strides = array<i32>} : memref<104x128xf32, #tpu.memory_space<vmem>>, vector<1x16xf32>,
      %swap3A_38 = vector.shape_cast %swap3A_37 : vector<1x16xf32> to vector<16xf32>
      %swap3A_39 = vector.shape_cast %broadcast_in_dim3A_35 : vector<16xf32> to vector<1x16xf32>
      tpu.vector_store %arg11[%swap3A, %swap3A_36], %swap3A_39 {strides = array<i32>} : memref<104x128xf32, #tpu.memory_space<vmem>>, vector<1x16xf32>,
      %broadcast_in_dim3A_40 = arith.constant 0.000000e+00 : f32
      %broadcast_in_dim3A_41 = vector.broadcast %broadcast_in_dim3A_40 : f32 to vector<16xf32>
      %swap3A_42 = arith.index_cast %scan3A_34 : i32 to index
      %swap3A_43 = arith.constant 16 : index
      %swap3A_44 = tpu.vector_load %arg11[%swap3A_42, %swap3A_43] {strides = array<i32>} : memref<104x128xf32, #tpu.memory_space<vmem>>, vector<1x16xf32>,
      %swap3A_45 = vector.shape_cast %swap3A_44 : vector<1x16xf32> to vector<16xf32>
      %swap3A_46 = vector.shape_cast %broadcast_in_dim3A_41 : vector<16xf32> to vector<1x16xf32>
      tpu.vector_store %arg11[%swap3A_42, %swap3A_43], %swap3A_46 {strides = array<i32>} : memref<104x128xf32, #tpu.memory_space<vmem>>, vector<1x16xf32>,
      %broadcast_in_dim3A_47 = arith.constant 0.000000e+00 : f32
      %broadcast_in_dim3A_48 = vector.broadcast %broadcast_in_dim3A_47 : f32 to vector<16xf32>
      %swap3A_49 = arith.index_cast %scan3A_34 : i32 to index
      %swap3A_50 = arith.constant 32 : index
      %swap3A_51 = tpu.vector_load %arg11[%swap3A_49, %swap3A_50] {strides = array<i32>} : memref<104x128xf32, #tpu.memory_space<vmem>>, vector<1x16xf32>,
      %swap3A_52 = vector.shape_cast %swap3A_51 : vector<1x16xf32> to vector<16xf32>
      %swap3A_53 = vector.shape_cast %broadcast_in_dim3A_48 : vector<16xf32> to vector<1x16xf32>
      tpu.vector_store %arg11[%swap3A_49, %swap3A_50], %swap3A_53 {strides = array<i32>} : memref<104x128xf32, #tpu.memory_space<vmem>>, vector<1x16xf32>,
      %broadcast_in_dim3A_54 = arith.constant 0.000000e+00 : f32
      %broadcast_in_dim3A_55 = vector.broadcast %broadcast_in_dim3A_54 : f32 to vector<16xf32>
      %swap3A_56 = arith.index_cast %scan3A_34 : i32 to index
      %swap3A_57 = arith.constant 48 : index
      %swap3A_58 = tpu.vector_load %arg11[%swap3A_56, %swap3A_57] {strides = array<i32>} : memref<104x128xf32, #tpu.memory_space<vmem>>, vector<1x16xf32>,
      %swap3A_59 = vector.shape_cast %swap3A_58 : vector<1x16xf32> to vector<16xf32>
      %swap3A_60 = vector.shape_cast %broadcast_in_dim3A_55 : vector<16xf32> to vector<1x16xf32>
      tpu.vector_store %arg11[%swap3A_56, %swap3A_57], %swap3A_60 {strides = array<i32>} : memref<104x128xf32, #tpu.memory_space<vmem>>, vector<1x16xf32>,
      %broadcast_in_dim3A_61 = arith.constant 0.000000e+00 : f32
      %broadcast_in_dim3A_62 = vector.broadcast %broadcast_in_dim3A_61 : f32 to vector<16xf32>
      %swap3A_63 = arith.index_cast %scan3A_34 : i32 to index
      %swap3A_64 = arith.constant 64 : index
      %swap3A_65 = tpu.vector_load %arg11[%swap3A_63, %swap3A_64] {strides = array<i32>} : memref<104x128xf32, #tpu.memory_space<vmem>>, vector<1x16xf32>,
      %swap3A_66 = vector.shape_cast %swap3A_65 : vector<1x16xf32> to vector<16xf32>
      %swap3A_67 = vector.shape_cast %broadcast_in_dim3A_62 : vector<16xf32> to vector<1x16xf32>
      tpu.vector_store %arg11[%swap3A_63, %swap3A_64], %swap3A_67 {strides = array<i32>} : memref<104x128xf32, #tpu.memory_space<vmem>>, vector<1x16xf32>,
      %broadcast_in_dim3A_68 = arith.constant 0.000000e+00 : f32
      %broadcast_in_dim3A_69 = vector.broadcast %broadcast_in_dim3A_68 : f32 to vector<16xf32>
      %swap3A_70 = arith.index_cast %scan3A_34 : i32 to index
      %swap3A_71 = arith.constant 80 : index
      %swap3A_72 = tpu.vector_load %arg11[%swap3A_70, %swap3A_71] {strides = array<i32>} : memref<104x128xf32, #tpu.memory_space<vmem>>, vector<1x16xf32>,
      %swap3A_73 = vector.shape_cast %swap3A_72 : vector<1x16xf32> to vector<16xf32>
      %swap3A_74 = vector.shape_cast %broadcast_in_dim3A_69 : vector<16xf32> to vector<1x16xf32>
      tpu.vector_store %arg11[%swap3A_70, %swap3A_71], %swap3A_74 {strides = array<i32>} : memref<104x128xf32, #tpu.memory_space<vmem>>, vector<1x16xf32>,
      %broadcast_in_dim3A_75 = arith.constant 0.000000e+00 : f32
      %broadcast_in_dim3A_76 = vector.broadcast %broadcast_in_dim3A_75 : f32 to vector<16xf32>
      %swap3A_77 = arith.index_cast %scan3A_34 : i32 to index
      %swap3A_78 = arith.constant 96 : index
      %swap3A_79 = tpu.vector_load %arg11[%swap3A_77, %swap3A_78] {strides = array<i32>} : memref<104x128xf32, #tpu.memory_space<vmem>>, vector<1x16xf32>,
      %swap3A_80 = vector.shape_cast %swap3A_79 : vector<1x16xf32> to vector<16xf32>
      %swap3A_81 = vector.shape_cast %broadcast_in_dim3A_76 : vector<16xf32> to vector<1x16xf32>
      tpu.vector_store %arg11[%swap3A_77, %swap3A_78], %swap3A_81 {strides = array<i32>} : memref<104x128xf32, #tpu.memory_space<vmem>>, vector<1x16xf32>,
      %broadcast_in_dim3A_82 = arith.constant 0.000000e+00 : f32
      %broadcast_in_dim3A_83 = vector.broadcast %broadcast_in_dim3A_82 : f32 to vector<16xf32>
      %swap3A_84 = arith.index_cast %scan3A_34 : i32 to index
      %swap3A_85 = arith.constant 112 : index
      %swap3A_86 = tpu.vector_load %arg11[%swap3A_84, %swap3A_85] {strides = array<i32>} : memref<104x128xf32, #tpu.memory_space<vmem>>, vector<1x16xf32>,
      %swap3A_87 = vector.shape_cast %swap3A_86 : vector<1x16xf32> to vector<16xf32>
      %swap3A_88 = vector.shape_cast %broadcast_in_dim3A_83 : vector<16xf32> to vector<1x16xf32>
      tpu.vector_store %arg11[%swap3A_84, %swap3A_85], %swap3A_88 {strides = array<i32>} : memref<104x128xf32, #tpu.memory_space<vmem>>, vector<1x16xf32>,
    }
    %scan3A_5 = arith.constant 104 : i32
    %mul3A_6 = arith.constant 624 : i32
    %mul3A_7 = arith.muli %arg1, %mul3A_6 : i32
    %add3A_8 = arith.constant 0 : i32
    %add3A_9 = arith.addi %mul3A_7, %add3A_8 : i32
    "tpu.region"() ({
      %run_scoped3A = tpu.sem_alloc : memref<!tpu.dma_semaphore, #tpu.memory_space<semaphore_mem>>
      %dma_start3A = arith.constant 0 : i32
      %dma_start3A_34 = tpu.memref_slice %arg12[%add3A_9, %dma_start3A] : memref<10000x128xf32, #tpu.memory_space<vmem_shared>> -> memref<104x128xf32, #tpu.memory_space<vmem_shared>>
      %dma_start3A_35 = arith.constant 0 : i32
      %dma_start3A_36 = tpu.memref_slice %arg12[%add3A_9, %dma_start3A_35] : memref<10000x128xf32, #tpu.memory_space<vmem_shared>> -> memref<104x128xf32, #tpu.memory_space<vmem_shared>>
      tpu.enqueue_dma source(%arg11 : memref<104x128xf32, #tpu.memory_space<vmem>>) target(%dma_start3A_36 : memref<104x128xf32, #tpu.memory_space<vmem_shared>>) target_semaphore(%run_scoped3A : memref<!tpu.dma_semaphore, #tpu.memory_space<semaphore_mem>>)
      %dma_wait3A = arith.constant 0 : i32
      %dma_wait3A_37 = tpu.memref_slice %arg12[%add3A_9, %dma_wait3A] : memref<10000x128xf32, #tpu.memory_space<vmem_shared>> -> memref<104x128xf32, #tpu.memory_space<vmem_shared>>
      %dma_wait3A_38 = arith.constant 0 : i32
      %dma_wait3A_39 = tpu.memref_slice %arg12[%add3A_9, %dma_wait3A_38] : memref<10000x128xf32, #tpu.memory_space<vmem_shared>> -> memref<104x128xf32, #tpu.memory_space<vmem_shared>>
      tpu.wait_dma2 semaphore(%run_scoped3A : memref<!tpu.dma_semaphore, #tpu.memory_space<semaphore_mem>>) src(%arg11 : memref<104x128xf32, #tpu.memory_space<vmem>>) dst(%dma_wait3A_39 : memref<104x128xf32, #tpu.memory_space<vmem_shared>>)
      tpu.yield
    }) : () -> ()
    %add3A_10 = arith.constant 104 : i32
    %add3A_11 = arith.addi %mul3A_7, %add3A_10 : i32
    "tpu.region"() ({
      %run_scoped3A = tpu.sem_alloc : memref<!tpu.dma_semaphore, #tpu.memory_space<semaphore_mem>>
      %dma_start3A = arith.constant 0 : i32
      %dma_start3A_34 = tpu.memref_slice %arg12[%add3A_11, %dma_start3A] : memref<10000x128xf32, #tpu.memory_space<vmem_shared>> -> memref<104x128xf32, #tpu.memory_space<vmem_shared>>
      %dma_start3A_35 = arith.constant 0 : i32
      %dma_start3A_36 = tpu.memref_slice %arg12[%add3A_11, %dma_start3A_35] : memref<10000x128xf32, #tpu.memory_space<vmem_shared>> -> memref<104x128xf32, #tpu.memory_space<vmem_shared>>
      tpu.enqueue_dma source(%arg11 : memref<104x128xf32, #tpu.memory_space<vmem>>) target(%dma_start3A_36 : memref<104x128xf32, #tpu.memory_space<vmem_shared>>) target_semaphore(%run_scoped3A : memref<!tpu.dma_semaphore, #tpu.memory_space<semaphore_mem>>)
      %dma_wait3A = arith.constant 0 : i32
      %dma_wait3A_37 = tpu.memref_slice %arg12[%add3A_11, %dma_wait3A] : memref<10000x128xf32, #tpu.memory_space<vmem_shared>> -> memref<104x128xf32, #tpu.memory_space<vmem_shared>>
      %dma_wait3A_38 = arith.constant 0 : i32
      %dma_wait3A_39 = tpu.memref_slice %arg12[%add3A_11, %dma_wait3A_38] : memref<10000x128xf32, #tpu.memory_space<vmem_shared>> -> memref<104x128xf32, #tpu.memory_space<vmem_shared>>
      tpu.wait_dma2 semaphore(%run_scoped3A : memref<!tpu.dma_semaphore, #tpu.memory_space<semaphore_mem>>) src(%arg11 : memref<104x128xf32, #tpu.memory_space<vmem>>) dst(%dma_wait3A_39 : memref<104x128xf32, #tpu.memory_space<vmem_shared>>)
      tpu.yield
    }) : () -> ()
    %add3A_12 = arith.constant 208 : i32
    %add3A_13 = arith.addi %mul3A_7, %add3A_12 : i32
    "tpu.region"() ({
      %run_scoped3A = tpu.sem_alloc : memref<!tpu.dma_semaphore, #tpu.memory_space<semaphore_mem>>
      %dma_start3A = arith.constant 0 : i32
      %dma_start3A_34 = tpu.memref_slice %arg12[%add3A_13, %dma_start3A] : memref<10000x128xf32, #tpu.memory_space<vmem_shared>> -> memref<104x128xf32, #tpu.memory_space<vmem_shared>>
      %dma_start3A_35 = arith.constant 0 : i32
      %dma_start3A_36 = tpu.memref_slice %arg12[%add3A_13, %dma_start3A_35] : memref<10000x128xf32, #tpu.memory_space<vmem_shared>> -> memref<104x128xf32, #tpu.memory_space<vmem_shared>>
      tpu.enqueue_dma source(%arg11 : memref<104x128xf32, #tpu.memory_space<vmem>>) target(%dma_start3A_36 : memref<104x128xf32, #tpu.memory_space<vmem_shared>>) target_semaphore(%run_scoped3A : memref<!tpu.dma_semaphore, #tpu.memory_space<semaphore_mem>>)
      %dma_wait3A = arith.constant 0 : i32
      %dma_wait3A_37 = tpu.memref_slice %arg12[%add3A_13, %dma_wait3A] : memref<10000x128xf32, #tpu.memory_space<vmem_shared>> -> memref<104x128xf32, #tpu.memory_space<vmem_shared>>
      %dma_wait3A_38 = arith.constant 0 : i32
      %dma_wait3A_39 = tpu.memref_slice %arg12[%add3A_13, %dma_wait3A_38] : memref<10000x128xf32, #tpu.memory_space<vmem_shared>> -> memref<104x128xf32, #tpu.memory_space<vmem_shared>>
      tpu.wait_dma2 semaphore(%run_scoped3A : memref<!tpu.dma_semaphore, #tpu.memory_space<semaphore_mem>>) src(%arg11 : memref<104x128xf32, #tpu.memory_space<vmem>>) dst(%dma_wait3A_39 : memref<104x128xf32, #tpu.memory_space<vmem_shared>>)
      tpu.yield
    }) : () -> ()
    %add3A_14 = arith.constant 312 : i32
    %add3A_15 = arith.addi %mul3A_7, %add3A_14 : i32
    "tpu.region"() ({
      %run_scoped3A = tpu.sem_alloc : memref<!tpu.dma_semaphore, #tpu.memory_space<semaphore_mem>>
      %dma_start3A = arith.constant 0 : i32
      %dma_start3A_34 = tpu.memref_slice %arg12[%add3A_15, %dma_start3A] : memref<10000x128xf32, #tpu.memory_space<vmem_shared>> -> memref<104x128xf32, #tpu.memory_space<vmem_shared>>
      %dma_start3A_35 = arith.constant 0 : i32
      %dma_start3A_36 = tpu.memref_slice %arg12[%add3A_15, %dma_start3A_35] : memref<10000x128xf32, #tpu.memory_space<vmem_shared>> -> memref<104x128xf32, #tpu.memory_space<vmem_shared>>
      tpu.enqueue_dma source(%arg11 : memref<104x128xf32, #tpu.memory_space<vmem>>) target(%dma_start3A_36 : memref<104x128xf32, #tpu.memory_space<vmem_shared>>) target_semaphore(%run_scoped3A : memref<!tpu.dma_semaphore, #tpu.memory_space<semaphore_mem>>)
      %dma_wait3A = arith.constant 0 : i32
      %dma_wait3A_37 = tpu.memref_slice %arg12[%add3A_15, %dma_wait3A] : memref<10000x128xf32, #tpu.memory_space<vmem_shared>> -> memref<104x128xf32, #tpu.memory_space<vmem_shared>>
      %dma_wait3A_38 = arith.constant 0 : i32
      %dma_wait3A_39 = tpu.memref_slice %arg12[%add3A_15, %dma_wait3A_38] : memref<10000x128xf32, #tpu.memory_space<vmem_shared>> -> memref<104x128xf32, #tpu.memory_space<vmem_shared>>
      tpu.wait_dma2 semaphore(%run_scoped3A : memref<!tpu.dma_semaphore, #tpu.memory_space<semaphore_mem>>) src(%arg11 : memref<104x128xf32, #tpu.memory_space<vmem>>) dst(%dma_wait3A_39 : memref<104x128xf32, #tpu.memory_space<vmem_shared>>)
      tpu.yield
    }) : () -> ()
    %add3A_16 = arith.constant 416 : i32
    %add3A_17 = arith.addi %mul3A_7, %add3A_16 : i32
    "tpu.region"() ({
      %run_scoped3A = tpu.sem_alloc : memref<!tpu.dma_semaphore, #tpu.memory_space<semaphore_mem>>
      %dma_start3A = arith.constant 0 : i32
      %dma_start3A_34 = tpu.memref_slice %arg12[%add3A_17, %dma_start3A] : memref<10000x128xf32, #tpu.memory_space<vmem_shared>> -> memref<104x128xf32, #tpu.memory_space<vmem_shared>>
      %dma_start3A_35 = arith.constant 0 : i32
      %dma_start3A_36 = tpu.memref_slice %arg12[%add3A_17, %dma_start3A_35] : memref<10000x128xf32, #tpu.memory_space<vmem_shared>> -> memref<104x128xf32, #tpu.memory_space<vmem_shared>>
      tpu.enqueue_dma source(%arg11 : memref<104x128xf32, #tpu.memory_space<vmem>>) target(%dma_start3A_36 : memref<104x128xf32, #tpu.memory_space<vmem_shared>>) target_semaphore(%run_scoped3A : memref<!tpu.dma_semaphore, #tpu.memory_space<semaphore_mem>>)
      %dma_wait3A = arith.constant 0 : i32
      %dma_wait3A_37 = tpu.memref_slice %arg12[%add3A_17, %dma_wait3A] : memref<10000x128xf32, #tpu.memory_space<vmem_shared>> -> memref<104x128xf32, #tpu.memory_space<vmem_shared>>
      %dma_wait3A_38 = arith.constant 0 : i32
      %dma_wait3A_39 = tpu.memref_slice %arg12[%add3A_17, %dma_wait3A_38] : memref<10000x128xf32, #tpu.memory_space<vmem_shared>> -> memref<104x128xf32, #tpu.memory_space<vmem_shared>>
      tpu.wait_dma2 semaphore(%run_scoped3A : memref<!tpu.dma_semaphore, #tpu.memory_space<semaphore_mem>>) src(%arg11 : memref<104x128xf32, #tpu.memory_space<vmem>>) dst(%dma_wait3A_39 : memref<104x128xf32, #tpu.memory_space<vmem_shared>>)
      tpu.yield
    }) : () -> ()
    %add3A_18 = arith.constant 520 : i32
    %add3A_19 = arith.addi %mul3A_7, %add3A_18 : i32
    "tpu.region"() ({
      %run_scoped3A = tpu.sem_alloc : memref<!tpu.dma_semaphore, #tpu.memory_space<semaphore_mem>>
      %dma_start3A = arith.constant 0 : i32
      %dma_start3A_34 = tpu.memref_slice %arg12[%add3A_19, %dma_start3A] : memref<10000x128xf32, #tpu.memory_space<vmem_shared>> -> memref<104x128xf32, #tpu.memory_space<vmem_shared>>
      %dma_start3A_35 = arith.constant 0 : i32
      %dma_start3A_36 = tpu.memref_slice %arg12[%add3A_19, %dma_start3A_35] : memref<10000x128xf32, #tpu.memory_space<vmem_shared>> -> memref<104x128xf32, #tpu.memory_space<vmem_shared>>
      tpu.enqueue_dma source(%arg11 : memref<104x128xf32, #tpu.memory_space<vmem>>) target(%dma_start3A_36 : memref<104x128xf32, #tpu.memory_space<vmem_shared>>) target_semaphore(%run_scoped3A : memref<!tpu.dma_semaphore, #tpu.memory_space<semaphore_mem>>)
      %dma_wait3A = arith.constant 0 : i32
      %dma_wait3A_37 = tpu.memref_slice %arg12[%add3A_19, %dma_wait3A] : memref<10000x128xf32, #tpu.memory_space<vmem_shared>> -> memref<104x128xf32, #tpu.memory_space<vmem_shared>>
      %dma_wait3A_38 = arith.constant 0 : i32
      %dma_wait3A_39 = tpu.memref_slice %arg12[%add3A_19, %dma_wait3A_38] : memref<10000x128xf32, #tpu.memory_space<vmem_shared>> -> memref<104x128xf32, #tpu.memory_space<vmem_shared>>
      tpu.wait_dma2 semaphore(%run_scoped3A : memref<!tpu.dma_semaphore, #tpu.memory_space<semaphore_mem>>) src(%arg11 : memref<104x128xf32, #tpu.memory_space<vmem>>) dst(%dma_wait3A_39 : memref<104x128xf32, #tpu.memory_space<vmem_shared>>)
      tpu.yield
    }) : () -> ()
    %eq3A = arith.constant 15 : i32
    %eq3A_20 = arith.cmpi eq, %arg1, %eq3A : i32
    %convert_element_type3A = arith.extui %eq3A_20 : i1 to i32
    %cond3A = arith.constant 0 : i32
    %cond3A_21 = arith.cmpi ne, %convert_element_type3A, %cond3A : i32
    scf.if %cond3A_21 {
      "tpu.region"() ({
        %run_scoped3A = tpu.sem_alloc : memref<!tpu.dma_semaphore, #tpu.memory_space<semaphore_mem>>
        %dma_start3A = arith.constant 0 : i32
        %dma_start3A_34 = arith.constant 0 : i32
        %dma_start3A_35 = tpu.memref_slice %arg11[%dma_start3A, %dma_start3A_34] : memref<104x128xf32, #tpu.memory_space<vmem>> -> memref<16x128xf32, #tpu.memory_space<vmem>>
        %dma_start3A_36 = arith.constant 9984 : i32
        %dma_start3A_37 = arith.constant 0 : i32
        %dma_start3A_38 = tpu.memref_slice %arg12[%dma_start3A_36, %dma_start3A_37] : memref<10000x128xf32, #tpu.memory_space<vmem_shared>> -> memref<16x128xf32, #tpu.memory_space<vmem_shared>>
        %dma_start3A_39 = arith.constant 9984 : i32
        %dma_start3A_40 = arith.constant 0 : i32
        %dma_start3A_41 = tpu.memref_slice %arg12[%dma_start3A_39, %dma_start3A_40] : memref<10000x128xf32, #tpu.memory_space<vmem_shared>> -> memref<16x128xf32, #tpu.memory_space<vmem_shared>>
        %dma_start3A_42 = arith.constant 0 : i32
        %dma_start3A_43 = arith.constant 0 : i32
        %dma_start3A_44 = tpu.memref_slice %arg11[%dma_start3A_42, %dma_start3A_43] : memref<104x128xf32, #tpu.memory_space<vmem>> -> memref<16x128xf32, #tpu.memory_space<vmem>>
        tpu.enqueue_dma source(%dma_start3A_44 : memref<16x128xf32, #tpu.memory_space<vmem>>) target(%dma_start3A_41 : memref<16x128xf32, #tpu.memory_space<vmem_shared>>) target_semaphore(%run_scoped3A : memref<!tpu.dma_semaphore, #tpu.memory_space<semaphore_mem>>)
        %dma_wait3A = arith.constant 0 : i32
        %dma_wait3A_45 = arith.constant 0 : i32
        %dma_wait3A_46 = tpu.memref_slice %arg11[%dma_wait3A, %dma_wait3A_45] : memref<104x128xf32, #tpu.memory_space<vmem>> -> memref<16x128xf32, #tpu.memory_space<vmem>>
        %dma_wait3A_47 = arith.constant 9984 : i32
        %dma_wait3A_48 = arith.constant 0 : i32
        %dma_wait3A_49 = tpu.memref_slice %arg12[%dma_wait3A_47, %dma_wait3A_48] : memref<10000x128xf32, #tpu.memory_space<vmem_shared>> -> memref<16x128xf32, #tpu.memory_space<vmem_shared>>
        %dma_wait3A_50 = arith.constant 9984 : i32
        %dma_wait3A_51 = arith.constant 0 : i32
        %dma_wait3A_52 = tpu.memref_slice %arg12[%dma_wait3A_50, %dma_wait3A_51] : memref<10000x128xf32, #tpu.memory_space<vmem_shared>> -> memref<16x128xf32, #tpu.memory_space<vmem_shared>>
        %dma_wait3A_53 = arith.constant 0 : i32
        %dma_wait3A_54 = arith.constant 0 : i32
        %dma_wait3A_55 = tpu.memref_slice %arg11[%dma_wait3A_53, %dma_wait3A_54] : memref<104x128xf32, #tpu.memory_space<vmem>> -> memref<16x128xf32, #tpu.memory_space<vmem>>
        tpu.wait_dma2 semaphore(%run_scoped3A : memref<!tpu.dma_semaphore, #tpu.memory_space<semaphore_mem>>) src(%dma_wait3A_55 : memref<16x128xf32, #tpu.memory_space<vmem>>) dst(%dma_wait3A_52 : memref<16x128xf32, #tpu.memory_space<vmem_shared>>)
        tpu.yield
      }) : () -> ()
    } else {
    }
    %barrier3A = arith.constant 0 : index
    tpu.barrier barrier_id(%barrier3A)
    %scan3A_22 = arith.constant 0 : i32
    %scan3A_23 = arith.constant 0 : i32
    %scan3A_24 = arith.constant 79 : i32
    %scan3A_25 = arith.addi %scan3A_23, %scan3A_24 : i32
    %scan3A_26 = arith.constant 1 : i32
    scf.for %scan3A_34 = %scan3A_23 to %scan3A_25 step %scan3A_26  : i32 {
      %mul3A_35 = arith.constant 32 : i32
      %mul3A_36 = arith.muli %mul3A_35, %scan3A_34 : i32
      %add3A_37 = arith.addi %add3A, %mul3A_36 : i32
      %lt3A = arith.constant 2500 : i32
      %lt3A_38 = arith.cmpi slt, %add3A_37, %lt3A : i32
      %convert_element_type3A_39 = arith.extui %lt3A_38 : i1 to i32
      %cond3A_40 = arith.constant 0 : i32
      %cond3A_41 = arith.cmpi ne, %convert_element_type3A_39, %cond3A_40 : i32
      scf.if %cond3A_41 {
        %mul3A_42 = arith.constant 128 : i32
        %mul3A_43 = arith.muli %add3A_37, %mul3A_42 : i32
        "tpu.region"() ({
          %run_scoped3A = tpu.sem_alloc : memref<!tpu.dma_semaphore, #tpu.memory_space<semaphore_mem>>
          %dma_start3A_54 = tpu.memref_slice %arg3[%mul3A_43] : memref<320000xi32, #tpu.memory_space<hbm>> -> memref<128xi32, #tpu.memory_space<hbm>>
          %dma_start3A_55 = tpu.memref_slice %arg3[%mul3A_43] : memref<320000xi32, #tpu.memory_space<hbm>> -> memref<128xi32, #tpu.memory_space<hbm>>
          tpu.enqueue_dma source(%dma_start3A_55 : memref<128xi32, #tpu.memory_space<hbm>>) target(%arg7 : memref<128xi32, #tpu.memory_space<vmem>>) target_semaphore(%run_scoped3A : memref<!tpu.dma_semaphore, #tpu.memory_space<semaphore_mem>>)
          %dma_wait3A_56 = tpu.memref_slice %arg3[%mul3A_43] : memref<320000xi32, #tpu.memory_space<hbm>> -> memref<128xi32, #tpu.memory_space<hbm>>
          %dma_wait3A_57 = tpu.memref_slice %arg3[%mul3A_43] : memref<320000xi32, #tpu.memory_space<hbm>> -> memref<128xi32, #tpu.memory_space<hbm>>
          tpu.wait_dma2 semaphore(%run_scoped3A : memref<!tpu.dma_semaphore, #tpu.memory_space<semaphore_mem>>) src(%dma_wait3A_57 : memref<128xi32, #tpu.memory_space<hbm>>) dst(%arg7 : memref<128xi32, #tpu.memory_space<vmem>>)
          tpu.yield
        }) : () -> ()
        "tpu.region"() ({
          %run_scoped3A = tpu.sem_alloc : memref<!tpu.dma_semaphore, #tpu.memory_space<semaphore_mem>>
          %dma_start3A_54 = tpu.memref_slice %arg4[%mul3A_43] : memref<320000xi32, #tpu.memory_space<hbm>> -> memref<128xi32, #tpu.memory_space<hbm>>
          %dma_start3A_55 = tpu.memref_slice %arg4[%mul3A_43] : memref<320000xi32, #tpu.memory_space<hbm>> -> memref<128xi32, #tpu.memory_space<hbm>>
          tpu.enqueue_dma source(%dma_start3A_55 : memref<128xi32, #tpu.memory_space<hbm>>) target(%arg8 : memref<128xi32, #tpu.memory_space<vmem>>) target_semaphore(%run_scoped3A : memref<!tpu.dma_semaphore, #tpu.memory_space<semaphore_mem>>)
          %dma_wait3A_56 = tpu.memref_slice %arg4[%mul3A_43] : memref<320000xi32, #tpu.memory_space<hbm>> -> memref<128xi32, #tpu.memory_space<hbm>>
          %dma_wait3A_57 = tpu.memref_slice %arg4[%mul3A_43] : memref<320000xi32, #tpu.memory_space<hbm>> -> memref<128xi32, #tpu.memory_space<hbm>>
          tpu.wait_dma2 semaphore(%run_scoped3A : memref<!tpu.dma_semaphore, #tpu.memory_space<semaphore_mem>>) src(%dma_wait3A_57 : memref<128xi32, #tpu.memory_space<hbm>>) dst(%arg8 : memref<128xi32, #tpu.memory_space<vmem>>)
          tpu.yield
        }) : () -> ()
        %dma_start3A = arith.constant 0 : i32
        %dma_start3A_44 = arith.constant 0 : i32
        %dma_start3A_45 = tpu.memref_slice %arg2[%dma_start3A, %dma_start3A_44] : memref<10000x128xf32, #tpu.memory_space<hbm>> -> memref<10000x128xf32, #tpu.memory_space<hbm>>
        tpu.enqueue_indirect_dma source(%dma_start3A_45 : memref<10000x128xf32, #tpu.memory_space<hbm>>) target(%arg9 : memref<128x128xf32, #tpu.memory_space<vmem>>) offsets(%arg7 : memref<128xi32, #tpu.memory_space<vmem>>) semaphore(%arg13 : memref<!tpu.dma_semaphore, #tpu.memory_space<semaphore_mem>>)
        "tpu.region"() ({
          %run_scoped3A = tpu.sem_alloc : memref<!tpu.dma_semaphore, #tpu.memory_space<semaphore_mem>>
          %dma_start3A_54 = arith.constant 0 : i32
          %dma_start3A_55 = tpu.memref_slice %arg5[%mul3A_43, %dma_start3A_54] : memref<320000x64xf32, #tpu.memory_space<hbm>> -> memref<128x64xf32, #tpu.memory_space<hbm>>
          %dma_start3A_56 = arith.constant 0 : i32
          %dma_start3A_57 = tpu.memref_slice %arg5[%mul3A_43, %dma_start3A_56] : memref<320000x64xf32, #tpu.memory_space<hbm>> -> memref<128x64xf32, #tpu.memory_space<hbm>>
          tpu.enqueue_dma source(%dma_start3A_57 : memref<128x64xf32, #tpu.memory_space<hbm>>) target(%arg10 : memref<128x64xf32, #tpu.memory_space<vmem>>) target_semaphore(%run_scoped3A : memref<!tpu.dma_semaphore, #tpu.memory_space<semaphore_mem>>)
          %dma_wait3A_58 = arith.constant 0 : i32
          %dma_wait3A_59 = tpu.memref_slice %arg5[%mul3A_43, %dma_wait3A_58] : memref<320000x64xf32, #tpu.memory_space<hbm>> -> memref<128x64xf32, #tpu.memory_space<hbm>>
          %dma_wait3A_60 = arith.constant 0 : i32
          %dma_wait3A_61 = tpu.memref_slice %arg5[%mul3A_43, %dma_wait3A_60] : memref<320000x64xf32, #tpu.memory_space<hbm>> -> memref<128x64xf32, #tpu.memory_space<hbm>>
          tpu.wait_dma2 semaphore(%run_scoped3A : memref<!tpu.dma_semaphore, #tpu.memory_space<semaphore_mem>>) src(%dma_wait3A_61 : memref<128x64xf32, #tpu.memory_space<hbm>>) dst(%arg10 : memref<128x64xf32, #tpu.memory_space<vmem>>)
          tpu.yield
        }) : () -> ()
        %dma_wait3A = arith.constant 0 : i32
        %dma_wait3A_46 = arith.constant 0 : i32
        %dma_wait3A_47 = tpu.memref_slice %arg2[%dma_wait3A, %dma_wait3A_46] : memref<10000x128xf32, #tpu.memory_space<hbm>> -> memref<10000x128xf32, #tpu.memory_space<hbm>>
        tpu.wait_indirect_dma semaphore(%arg13 : memref<!tpu.dma_semaphore, #tpu.memory_space<semaphore_mem>>) src(%dma_wait3A_47 : memref<10000x128xf32, #tpu.memory_space<hbm>>) dst(%arg9 : memref<128x128xf32, #tpu.memory_space<vmem>>)
        %scan3A_48 = arith.constant 0 : i32
        %scan3A_49 = arith.constant 0 : i32
        %scan3A_50 = arith.constant 128 : i32
        %scan3A_51 = arith.addi %scan3A_49, %scan3A_50 : i32
        %scan3A_52 = arith.constant 1 : i32
        scf.for %scan3A_54 = %scan3A_49 to %scan3A_51 step %scan3A_52  : i32 {
          %get3A = arith.index_cast %scan3A_54 : i32 to index
          %get3A_55 = arith.constant 0 : index
          %get3A_56 = tpu.vector_load %arg10[%get3A, %get3A_55] {strides = array<i32>} : memref<128x64xf32, #tpu.memory_space<vmem>>, vector<1x16xf32>,
          %get3A_57 = vector.shape_cast %get3A_56 : vector<1x16xf32> to vector<16xf32>
          %get3A_58 = arith.index_cast %scan3A_54 : i32 to index
          %get3A_59 = arith.constant 0 : index
          %get3A_60 = tpu.vector_load %arg9[%get3A_58, %get3A_59] {strides = array<i32>} : memref<128x128xf32, #tpu.memory_space<vmem>>, vector<1x16xf32>,
          %get3A_61 = vector.shape_cast %get3A_60 : vector<1x16xf32> to vector<16xf32>
          %add3A_62 = arith.addf %get3A_61, %get3A_57 : vector<16xf32>
          %max3A = arith.constant 0.000000e+00 : f32
          %max3A_63 = vector.broadcast %max3A : f32 to vector<16xf32>
          %max3A_64 = arith.maximumf %add3A_62, %max3A_63 : vector<16xf32>
          %swap3A = arith.index_cast %scan3A_54 : i32 to index
          %swap3A_65 = arith.constant 0 : index
          %swap3A_66 = tpu.vector_load %arg9[%swap3A, %swap3A_65] {strides = array<i32>} : memref<128x128xf32, #tpu.memory_space<vmem>>, vector<1x16xf32>,
          %swap3A_67 = vector.shape_cast %swap3A_66 : vector<1x16xf32> to vector<16xf32>
          %swap3A_68 = vector.shape_cast %max3A_64 : vector<16xf32> to vector<1x16xf32>
          tpu.vector_store %arg9[%swap3A, %swap3A_65], %swap3A_68 {strides = array<i32>} : memref<128x128xf32, #tpu.memory_space<vmem>>, vector<1x16xf32>,
          %get3A_69 = arith.index_cast %scan3A_54 : i32 to index
          %get3A_70 = arith.constant 16 : index
          %get3A_71 = tpu.vector_load %arg10[%get3A_69, %get3A_70] {strides = array<i32>} : memref<128x64xf32, #tpu.memory_space<vmem>>, vector<1x16xf32>,
          %get3A_72 = vector.shape_cast %get3A_71 : vector<1x16xf32> to vector<16xf32>
          %get3A_73 = arith.index_cast %scan3A_54 : i32 to index
          %get3A_74 = arith.constant 16 : index
          %get3A_75 = tpu.vector_load %arg9[%get3A_73, %get3A_74] {strides = array<i32>} : memref<128x128xf32, #tpu.memory_space<vmem>>, vector<1x16xf32>,
          %get3A_76 = vector.shape_cast %get3A_75 : vector<1x16xf32> to vector<16xf32>
          %add3A_77 = arith.addf %get3A_76, %get3A_72 : vector<16xf32>
          %max3A_78 = arith.constant 0.000000e+00 : f32
          %max3A_79 = vector.broadcast %max3A_78 : f32 to vector<16xf32>
          %max3A_80 = arith.maximumf %add3A_77, %max3A_79 : vector<16xf32>
          %swap3A_81 = arith.index_cast %scan3A_54 : i32 to index
          %swap3A_82 = arith.constant 16 : index
          %swap3A_83 = tpu.vector_load %arg9[%swap3A_81, %swap3A_82] {strides = array<i32>} : memref<128x128xf32, #tpu.memory_space<vmem>>, vector<1x16xf32>,
          %swap3A_84 = vector.shape_cast %swap3A_83 : vector<1x16xf32> to vector<16xf32>
          %swap3A_85 = vector.shape_cast %max3A_80 : vector<16xf32> to vector<1x16xf32>
          tpu.vector_store %arg9[%swap3A_81, %swap3A_82], %swap3A_85 {strides = array<i32>} : memref<128x128xf32, #tpu.memory_space<vmem>>, vector<1x16xf32>,
          %get3A_86 = arith.index_cast %scan3A_54 : i32 to index
          %get3A_87 = arith.constant 32 : index
          %get3A_88 = tpu.vector_load %arg10[%get3A_86, %get3A_87] {strides = array<i32>} : memref<128x64xf32, #tpu.memory_space<vmem>>, vector<1x16xf32>,
          %get3A_89 = vector.shape_cast %get3A_88 : vector<1x16xf32> to vector<16xf32>
          %get3A_90 = arith.index_cast %scan3A_54 : i32 to index
          %get3A_91 = arith.constant 32 : index
          %get3A_92 = tpu.vector_load %arg9[%get3A_90, %get3A_91] {strides = array<i32>} : memref<128x128xf32, #tpu.memory_space<vmem>>, vector<1x16xf32>,
          %get3A_93 = vector.shape_cast %get3A_92 : vector<1x16xf32> to vector<16xf32>
          %add3A_94 = arith.addf %get3A_93, %get3A_89 : vector<16xf32>
          %max3A_95 = arith.constant 0.000000e+00 : f32
          %max3A_96 = vector.broadcast %max3A_95 : f32 to vector<16xf32>
          %max3A_97 = arith.maximumf %add3A_94, %max3A_96 : vector<16xf32>
          %swap3A_98 = arith.index_cast %scan3A_54 : i32 to index
          %swap3A_99 = arith.constant 32 : index
          %swap3A_100 = tpu.vector_load %arg9[%swap3A_98, %swap3A_99] {strides = array<i32>} : memref<128x128xf32, #tpu.memory_space<vmem>>, vector<1x16xf32>,
          %swap3A_101 = vector.shape_cast %swap3A_100 : vector<1x16xf32> to vector<16xf32>
          %swap3A_102 = vector.shape_cast %max3A_97 : vector<16xf32> to vector<1x16xf32>
          tpu.vector_store %arg9[%swap3A_98, %swap3A_99], %swap3A_102 {strides = array<i32>} : memref<128x128xf32, #tpu.memory_space<vmem>>, vector<1x16xf32>,
          %get3A_103 = arith.index_cast %scan3A_54 : i32 to index
          %get3A_104 = arith.constant 48 : index
          %get3A_105 = tpu.vector_load %arg10[%get3A_103, %get3A_104] {strides = array<i32>} : memref<128x64xf32, #tpu.memory_space<vmem>>, vector<1x16xf32>,
          %get3A_106 = vector.shape_cast %get3A_105 : vector<1x16xf32> to vector<16xf32>
          %get3A_107 = arith.index_cast %scan3A_54 : i32 to index
          %get3A_108 = arith.constant 48 : index
          %get3A_109 = tpu.vector_load %arg9[%get3A_107, %get3A_108] {strides = array<i32>} : memref<128x128xf32, #tpu.memory_space<vmem>>, vector<1x16xf32>,
          %get3A_110 = vector.shape_cast %get3A_109 : vector<1x16xf32> to vector<16xf32>
          %add3A_111 = arith.addf %get3A_110, %get3A_106 : vector<16xf32>
          %max3A_112 = arith.constant 0.000000e+00 : f32
          %max3A_113 = vector.broadcast %max3A_112 : f32 to vector<16xf32>
          %max3A_114 = arith.maximumf %add3A_111, %max3A_113 : vector<16xf32>
          %swap3A_115 = arith.index_cast %scan3A_54 : i32 to index
          %swap3A_116 = arith.constant 48 : index
          %swap3A_117 = tpu.vector_load %arg9[%swap3A_115, %swap3A_116] {strides = array<i32>} : memref<128x128xf32, #tpu.memory_space<vmem>>, vector<1x16xf32>,
          %swap3A_118 = vector.shape_cast %swap3A_117 : vector<1x16xf32> to vector<16xf32>
          %swap3A_119 = vector.shape_cast %max3A_114 : vector<16xf32> to vector<1x16xf32>
          tpu.vector_store %arg9[%swap3A_115, %swap3A_116], %swap3A_119 {strides = array<i32>} : memref<128x128xf32, #tpu.memory_space<vmem>>, vector<1x16xf32>,
          %get3A_120 = arith.index_cast %scan3A_54 : i32 to index
          %get3A_121 = arith.constant 0 : index
          %get3A_122 = tpu.vector_load %arg10[%get3A_120, %get3A_121] {strides = array<i32>} : memref<128x64xf32, #tpu.memory_space<vmem>>, vector<1x16xf32>,
          %get3A_123 = vector.shape_cast %get3A_122 : vector<1x16xf32> to vector<16xf32>
          %get3A_124 = arith.index_cast %scan3A_54 : i32 to index
          %get3A_125 = arith.constant 64 : index
          %get3A_126 = tpu.vector_load %arg9[%get3A_124, %get3A_125] {strides = array<i32>} : memref<128x128xf32, #tpu.memory_space<vmem>>, vector<1x16xf32>,
          %get3A_127 = vector.shape_cast %get3A_126 : vector<1x16xf32> to vector<16xf32>
          %add3A_128 = arith.addf %get3A_127, %get3A_123 : vector<16xf32>
          %max3A_129 = arith.constant 0.000000e+00 : f32
          %max3A_130 = vector.broadcast %max3A_129 : f32 to vector<16xf32>
          %max3A_131 = arith.maximumf %add3A_128, %max3A_130 : vector<16xf32>
          %swap3A_132 = arith.index_cast %scan3A_54 : i32 to index
          %swap3A_133 = arith.constant 64 : index
          %swap3A_134 = tpu.vector_load %arg9[%swap3A_132, %swap3A_133] {strides = array<i32>} : memref<128x128xf32, #tpu.memory_space<vmem>>, vector<1x16xf32>,
          %swap3A_135 = vector.shape_cast %swap3A_134 : vector<1x16xf32> to vector<16xf32>
          %swap3A_136 = vector.shape_cast %max3A_131 : vector<16xf32> to vector<1x16xf32>
          tpu.vector_store %arg9[%swap3A_132, %swap3A_133], %swap3A_136 {strides = array<i32>} : memref<128x128xf32, #tpu.memory_space<vmem>>, vector<1x16xf32>,
          %get3A_137 = arith.index_cast %scan3A_54 : i32 to index
          %get3A_138 = arith.constant 16 : index
          %get3A_139 = tpu.vector_load %arg10[%get3A_137, %get3A_138] {strides = array<i32>} : memref<128x64xf32, #tpu.memory_space<vmem>>, vector<1x16xf32>,
          %get3A_140 = vector.shape_cast %get3A_139 : vector<1x16xf32> to vector<16xf32>
          %get3A_141 = arith.index_cast %scan3A_54 : i32 to index
          %get3A_142 = arith.constant 80 : index
          %get3A_143 = tpu.vector_load %arg9[%get3A_141, %get3A_142] {strides = array<i32>} : memref<128x128xf32, #tpu.memory_space<vmem>>, vector<1x16xf32>,
          %get3A_144 = vector.shape_cast %get3A_143 : vector<1x16xf32> to vector<16xf32>
          %add3A_145 = arith.addf %get3A_144, %get3A_140 : vector<16xf32>
          %max3A_146 = arith.constant 0.000000e+00 : f32
          %max3A_147 = vector.broadcast %max3A_146 : f32 to vector<16xf32>
          %max3A_148 = arith.maximumf %add3A_145, %max3A_147 : vector<16xf32>
          %swap3A_149 = arith.index_cast %scan3A_54 : i32 to index
          %swap3A_150 = arith.constant 80 : index
          %swap3A_151 = tpu.vector_load %arg9[%swap3A_149, %swap3A_150] {strides = array<i32>} : memref<128x128xf32, #tpu.memory_space<vmem>>, vector<1x16xf32>,
          %swap3A_152 = vector.shape_cast %swap3A_151 : vector<1x16xf32> to vector<16xf32>
          %swap3A_153 = vector.shape_cast %max3A_148 : vector<16xf32> to vector<1x16xf32>
          tpu.vector_store %arg9[%swap3A_149, %swap3A_150], %swap3A_153 {strides = array<i32>} : memref<128x128xf32, #tpu.memory_space<vmem>>, vector<1x16xf32>,
          %get3A_154 = arith.index_cast %scan3A_54 : i32 to index
          %get3A_155 = arith.constant 32 : index
          %get3A_156 = tpu.vector_load %arg10[%get3A_154, %get3A_155] {strides = array<i32>} : memref<128x64xf32, #tpu.memory_space<vmem>>, vector<1x16xf32>,
          %get3A_157 = vector.shape_cast %get3A_156 : vector<1x16xf32> to vector<16xf32>
          %get3A_158 = arith.index_cast %scan3A_54 : i32 to index
          %get3A_159 = arith.constant 96 : index
          %get3A_160 = tpu.vector_load %arg9[%get3A_158, %get3A_159] {strides = array<i32>} : memref<128x128xf32, #tpu.memory_space<vmem>>, vector<1x16xf32>,
          %get3A_161 = vector.shape_cast %get3A_160 : vector<1x16xf32> to vector<16xf32>
          %add3A_162 = arith.addf %get3A_161, %get3A_157 : vector<16xf32>
          %max3A_163 = arith.constant 0.000000e+00 : f32
          %max3A_164 = vector.broadcast %max3A_163 : f32 to vector<16xf32>
          %max3A_165 = arith.maximumf %add3A_162, %max3A_164 : vector<16xf32>
          %swap3A_166 = arith.index_cast %scan3A_54 : i32 to index
          %swap3A_167 = arith.constant 96 : index
          %swap3A_168 = tpu.vector_load %arg9[%swap3A_166, %swap3A_167] {strides = array<i32>} : memref<128x128xf32, #tpu.memory_space<vmem>>, vector<1x16xf32>,
          %swap3A_169 = vector.shape_cast %swap3A_168 : vector<1x16xf32> to vector<16xf32>
          %swap3A_170 = vector.shape_cast %max3A_165 : vector<16xf32> to vector<1x16xf32>
          tpu.vector_store %arg9[%swap3A_166, %swap3A_167], %swap3A_170 {strides = array<i32>} : memref<128x128xf32, #tpu.memory_space<vmem>>, vector<1x16xf32>,
          %get3A_171 = arith.index_cast %scan3A_54 : i32 to index
          %get3A_172 = arith.constant 48 : index
          %get3A_173 = tpu.vector_load %arg10[%get3A_171, %get3A_172] {strides = array<i32>} : memref<128x64xf32, #tpu.memory_space<vmem>>, vector<1x16xf32>,
          %get3A_174 = vector.shape_cast %get3A_173 : vector<1x16xf32> to vector<16xf32>
          %get3A_175 = arith.index_cast %scan3A_54 : i32 to index
          %get3A_176 = arith.constant 112 : index
          %get3A_177 = tpu.vector_load %arg9[%get3A_175, %get3A_176] {strides = array<i32>} : memref<128x128xf32, #tpu.memory_space<vmem>>, vector<1x16xf32>,
          %get3A_178 = vector.shape_cast %get3A_177 : vector<1x16xf32> to vector<16xf32>
          %add3A_179 = arith.addf %get3A_178, %get3A_174 : vector<16xf32>
          %max3A_180 = arith.constant 0.000000e+00 : f32
          %max3A_181 = vector.broadcast %max3A_180 : f32 to vector<16xf32>
          %max3A_182 = arith.maximumf %add3A_179, %max3A_181 : vector<16xf32>
          %swap3A_183 = arith.index_cast %scan3A_54 : i32 to index
          %swap3A_184 = arith.constant 112 : index
          %swap3A_185 = tpu.vector_load %arg9[%swap3A_183, %swap3A_184] {strides = array<i32>} : memref<128x128xf32, #tpu.memory_space<vmem>>, vector<1x16xf32>,
          %swap3A_186 = vector.shape_cast %swap3A_185 : vector<1x16xf32> to vector<16xf32>
          %swap3A_187 = vector.shape_cast %max3A_182 : vector<16xf32> to vector<1x16xf32>
          tpu.vector_store %arg9[%swap3A_183, %swap3A_184], %swap3A_187 {strides = array<i32>} : memref<128x128xf32, #tpu.memory_space<vmem>>, vector<1x16xf32>,
        }
        %scan3A_53 = arith.constant 128 : i32
        "tpu.region"() ({
          %run_scoped3A = tpu.sem_alloc : memref<!tpu.dma_semaphore, #tpu.memory_space<semaphore_mem>>
          %dma_start3A_54 = arith.constant 0 : i32
          %dma_start3A_55 = arith.constant 0 : i32
          %dma_start3A_56 = tpu.memref_slice %arg12[%dma_start3A_54, %dma_start3A_55] : memref<10000x128xf32, #tpu.memory_space<vmem_shared>> -> memref<10000x128xf32, #tpu.memory_space<vmem_shared>>
          tpu.enqueue_indirect_dma source(%arg9 : memref<128x128xf32, #tpu.memory_space<vmem>>) target(%dma_start3A_56 : memref<10000x128xf32, #tpu.memory_space<vmem_shared>>) offsets(%arg8 : memref<128xi32, #tpu.memory_space<vmem>>) semaphore(%run_scoped3A : memref<!tpu.dma_semaphore, #tpu.memory_space<semaphore_mem>>) {add = true}
          %dma_wait3A_57 = arith.constant 0 : i32
          %dma_wait3A_58 = arith.constant 0 : i32
          %dma_wait3A_59 = tpu.memref_slice %arg12[%dma_wait3A_57, %dma_wait3A_58] : memref<10000x128xf32, #tpu.memory_space<vmem_shared>> -> memref<10000x128xf32, #tpu.memory_space<vmem_shared>>
          tpu.wait_indirect_dma semaphore(%run_scoped3A : memref<!tpu.dma_semaphore, #tpu.memory_space<semaphore_mem>>) src(%arg9 : memref<128x128xf32, #tpu.memory_space<vmem>>) dst(%dma_wait3A_59 : memref<10000x128xf32, #tpu.memory_space<vmem_shared>>)
          tpu.yield
        }) : () -> ()
      } else {
      }
    }
    %scan3A_27 = arith.constant 79 : i32
    %barrier3A_28 = arith.constant 0 : index
    tpu.barrier barrier_id(%barrier3A_28)
    "tpu.region"() ({
      %run_scoped3A = tpu.sem_alloc : memref<!tpu.dma_semaphore, #tpu.memory_space<semaphore_mem>>
      %dma_start3A = arith.constant 0 : i32
      %dma_start3A_34 = tpu.memref_slice %arg6[%arg0, %mul3A_7, %dma_start3A] : memref<2x10000x128xf32, #tpu.memory_space<hbm>> -> memref<1x624x128xf32, #tpu.memory_space<hbm>>
      %dma_start3A_35 = tpu.memref_squeeze %dma_start3A_34 : memref<1x624x128xf32, #tpu.memory_space<hbm>> -> memref<624x128xf32, #tpu.memory_space<hbm>>
      %dma_start3A_36 = arith.constant 0 : i32
      %dma_start3A_37 = tpu.memref_slice %arg12[%mul3A_7, %dma_start3A_36] : memref<10000x128xf32, #tpu.memory_space<vmem_shared>> -> memref<624x128xf32, #tpu.memory_space<vmem_shared>>
      tpu.enqueue_dma source(%dma_start3A_37 : memref<624x128xf32, #tpu.memory_space<vmem_shared>>) target(%dma_start3A_35 : memref<624x128xf32, #tpu.memory_space<hbm>>) target_semaphore(%run_scoped3A : memref<!tpu.dma_semaphore, #tpu.memory_space<semaphore_mem>>)
      %dma_wait3A = arith.constant 0 : i32
      %dma_wait3A_38 = tpu.memref_slice %arg6[%arg0, %mul3A_7, %dma_wait3A] : memref<2x10000x128xf32, #tpu.memory_space<hbm>> -> memref<1x624x128xf32, #tpu.memory_space<hbm>>
      %dma_wait3A_39 = tpu.memref_squeeze %dma_wait3A_38 : memref<1x624x128xf32, #tpu.memory_space<hbm>> -> memref<624x128xf32, #tpu.memory_space<hbm>>
      %dma_wait3A_40 = arith.constant 0 : i32
      %dma_wait3A_41 = tpu.memref_slice %arg12[%mul3A_7, %dma_wait3A_40] : memref<10000x128xf32, #tpu.memory_space<vmem_shared>> -> memref<624x128xf32, #tpu.memory_space<vmem_shared>>
      tpu.wait_dma2 semaphore(%run_scoped3A : memref<!tpu.dma_semaphore, #tpu.memory_space<semaphore_mem>>) src(%dma_wait3A_41 : memref<624x128xf32, #tpu.memory_space<vmem_shared>>) dst(%dma_wait3A_39 : memref<624x128xf32, #tpu.memory_space<hbm>>)
      tpu.yield
    }) : () -> ()
    %eq3A_29 = arith.constant 15 : i32
    %eq3A_30 = arith.cmpi eq, %arg1, %eq3A_29 : i32
    %convert_element_type3A_31 = arith.extui %eq3A_30 : i1 to i32
    %cond3A_32 = arith.constant 0 : i32
    %cond3A_33 = arith.cmpi ne, %convert_element_type3A_31, %cond3A_32 : i32
    scf.if %cond3A_33 {
      "tpu.region"() ({
        %run_scoped3A = tpu.sem_alloc : memref<!tpu.dma_semaphore, #tpu.memory_space<semaphore_mem>>
        %dma_start3A = arith.constant 9984 : i32
        %dma_start3A_34 = arith.constant 0 : i32
        %dma_start3A_35 = tpu.memref_slice %arg6[%arg0, %dma_start3A, %dma_start3A_34] : memref<2x10000x128xf32, #tpu.memory_space<hbm>> -> memref<1x16x128xf32, #tpu.memory_space<hbm>>
        %dma_start3A_36 = tpu.memref_squeeze %dma_start3A_35 : memref<1x16x128xf32, #tpu.memory_space<hbm>> -> memref<16x128xf32, #tpu.memory_space<hbm>>
        %dma_start3A_37 = arith.constant 9984 : i32
        %dma_start3A_38 = arith.constant 0 : i32
        %dma_start3A_39 = tpu.memref_slice %arg12[%dma_start3A_37, %dma_start3A_38] : memref<10000x128xf32, #tpu.memory_space<vmem_shared>> -> memref<16x128xf32, #tpu.memory_space<vmem_shared>>
        tpu.enqueue_dma source(%dma_start3A_39 : memref<16x128xf32, #tpu.memory_space<vmem_shared>>) target(%dma_start3A_36 : memref<16x128xf32, #tpu.memory_space<hbm>>) target_semaphore(%run_scoped3A : memref<!tpu.dma_semaphore, #tpu.memory_space<semaphore_mem>>)
        %dma_wait3A = arith.constant 9984 : i32
        %dma_wait3A_40 = arith.constant 0 : i32
        %dma_wait3A_41 = tpu.memref_slice %arg6[%arg0, %dma_wait3A, %dma_wait3A_40] : memref<2x10000x128xf32, #tpu.memory_space<hbm>> -> memref<1x16x128xf32, #tpu.memory_space<hbm>>
        %dma_wait3A_42 = tpu.memref_squeeze %dma_wait3A_41 : memref<1x16x128xf32, #tpu.memory_space<hbm>> -> memref<16x128xf32, #tpu.memory_space<hbm>>
        %dma_wait3A_43 = arith.constant 9984 : i32
        %dma_wait3A_44 = arith.constant 0 : i32
        %dma_wait3A_45 = tpu.memref_slice %arg12[%dma_wait3A_43, %dma_wait3A_44] : memref<10000x128xf32, #tpu.memory_space<vmem_shared>> -> memref<16x128xf32, #tpu.memory_space<vmem_shared>>
        tpu.wait_dma2 semaphore(%run_scoped3A : memref<!tpu.dma_semaphore, #tpu.memory_space<semaphore_mem>>) src(%dma_wait3A_45 : memref<16x128xf32, #tpu.memory_space<vmem_shared>>) dst(%dma_wait3A_42 : memref<16x128xf32, #tpu.memory_space<hbm>>)
        tpu.yield
      }) : () -> ()
    } else {
    }
    return
  }
}

#map = affine_map<(d0, d1) -> (0, 0)>
#map1 = affine_map<(d0, d1) -> (0)>
#map2 = affine_map<(d0, d1) -> (0, 0, 0)>
module attributes {stable_mosaic.version = 14 : i64} {
  func.func @_sc_conv_body(%arg0: i32, %arg1: i32, %arg2: memref<10000x128xf32, #tpu.memory_space<hbm>>, %arg3: memref<320000xi32, #tpu.memory_space<hbm>>, %arg4: memref<320000xi32, #tpu.memory_space<hbm>>, %arg5: memref<320000x64xf32, #tpu.memory_space<hbm>>, %arg6: memref<2x10000x128xf32, #tpu.memory_space<hbm>>, %arg7: memref<128xi32, #tpu.memory_space<vmem>>, %arg8: memref<128xi32, #tpu.memory_space<vmem>>, %arg9: memref<128x128xf32, #tpu.memory_space<vmem>>, %arg10: memref<128x64xf32, #tpu.memory_space<vmem>>, %arg11: memref<104x128xf32, #tpu.memory_space<vmem>>, %arg12: memref<10000x128xf32, #tpu.memory_space<vmem_shared>>, %arg13: memref<!tpu.dma_semaphore, #tpu.memory_space<semaphore_mem>>) attributes {dimension_semantics = [#tpu.dimension_semantics<core_parallel>, #tpu.dimension_semantics<subcore_parallel>], iteration_bounds = array<i64: 2, 16>, scalar_prefetch = 0 : i64, scratch_operands = 7 : i64, tpu.core_type = #tpu.core_type<sc_vector_subcore>, window_params = [{transform_indices = #map}, {transform_indices = #map1}, {transform_indices = #map1}, {transform_indices = #map}, {transform_indices = #map2}]} {
    %mul3A = arith.constant 2 : i32
    %mul3A_0 = arith.muli %arg1, %mul3A : i32
    %add3A = arith.addi %mul3A_0, %arg0 : i32
    %scan3A = arith.constant 0 : i32
    %scan3A_1 = arith.constant 0 : i32
    %scan3A_2 = arith.constant 104 : i32
    %scan3A_3 = arith.addi %scan3A_1, %scan3A_2 : i32
    %scan3A_4 = arith.constant 1 : i32
    scf.for %scan3A_34 = %scan3A_1 to %scan3A_3 step %scan3A_4  : i32 {
      %broadcast_in_dim3A = arith.constant 0.000000e+00 : f32
      %broadcast_in_dim3A_35 = vector.broadcast %broadcast_in_dim3A : f32 to vector<16xf32>
      %swap3A = arith.index_cast %scan3A_34 : i32 to index
      %swap3A_36 = arith.constant 0 : index
      %swap3A_37 = tpu.vector_load %arg11[%swap3A, %swap3A_36] {strides = array<i32>} : memref<104x128xf32, #tpu.memory_space<vmem>>, vector<1x16xf32>,
      %swap3A_38 = vector.shape_cast %swap3A_37 : vector<1x16xf32> to vector<16xf32>
      %swap3A_39 = vector.shape_cast %broadcast_in_dim3A_35 : vector<16xf32> to vector<1x16xf32>
      tpu.vector_store %arg11[%swap3A, %swap3A_36], %swap3A_39 {strides = array<i32>} : memref<104x128xf32, #tpu.memory_space<vmem>>, vector<1x16xf32>,
      %broadcast_in_dim3A_40 = arith.constant 0.000000e+00 : f32
      %broadcast_in_dim3A_41 = vector.broadcast %broadcast_in_dim3A_40 : f32 to vector<16xf32>
      %swap3A_42 = arith.index_cast %scan3A_34 : i32 to index
      %swap3A_43 = arith.constant 16 : index
      %swap3A_44 = tpu.vector_load %arg11[%swap3A_42, %swap3A_43] {strides = array<i32>} : memref<104x128xf32, #tpu.memory_space<vmem>>, vector<1x16xf32>,
      %swap3A_45 = vector.shape_cast %swap3A_44 : vector<1x16xf32> to vector<16xf32>
      %swap3A_46 = vector.shape_cast %broadcast_in_dim3A_41 : vector<16xf32> to vector<1x16xf32>
      tpu.vector_store %arg11[%swap3A_42, %swap3A_43], %swap3A_46 {strides = array<i32>} : memref<104x128xf32, #tpu.memory_space<vmem>>, vector<1x16xf32>,
      %broadcast_in_dim3A_47 = arith.constant 0.000000e+00 : f32
      %broadcast_in_dim3A_48 = vector.broadcast %broadcast_in_dim3A_47 : f32 to vector<16xf32>
      %swap3A_49 = arith.index_cast %scan3A_34 : i32 to index
      %swap3A_50 = arith.constant 32 : index
      %swap3A_51 = tpu.vector_load %arg11[%swap3A_49, %swap3A_50] {strides = array<i32>} : memref<104x128xf32, #tpu.memory_space<vmem>>, vector<1x16xf32>,
      %swap3A_52 = vector.shape_cast %swap3A_51 : vector<1x16xf32> to vector<16xf32>
      %swap3A_53 = vector.shape_cast %broadcast_in_dim3A_48 : vector<16xf32> to vector<1x16xf32>
      tpu.vector_store %arg11[%swap3A_49, %swap3A_50], %swap3A_53 {strides = array<i32>} : memref<104x128xf32, #tpu.memory_space<vmem>>, vector<1x16xf32>,
      %broadcast_in_dim3A_54 = arith.constant 0.000000e+00 : f32
      %broadcast_in_dim3A_55 = vector.broadcast %broadcast_in_dim3A_54 : f32 to vector<16xf32>
      %swap3A_56 = arith.index_cast %scan3A_34 : i32 to index
      %swap3A_57 = arith.constant 48 : index
      %swap3A_58 = tpu.vector_load %arg11[%swap3A_56, %swap3A_57] {strides = array<i32>} : memref<104x128xf32, #tpu.memory_space<vmem>>, vector<1x16xf32>,
      %swap3A_59 = vector.shape_cast %swap3A_58 : vector<1x16xf32> to vector<16xf32>
      %swap3A_60 = vector.shape_cast %broadcast_in_dim3A_55 : vector<16xf32> to vector<1x16xf32>
      tpu.vector_store %arg11[%swap3A_56, %swap3A_57], %swap3A_60 {strides = array<i32>} : memref<104x128xf32, #tpu.memory_space<vmem>>, vector<1x16xf32>,
      %broadcast_in_dim3A_61 = arith.constant 0.000000e+00 : f32
      %broadcast_in_dim3A_62 = vector.broadcast %broadcast_in_dim3A_61 : f32 to vector<16xf32>
      %swap3A_63 = arith.index_cast %scan3A_34 : i32 to index
      %swap3A_64 = arith.constant 64 : index
      %swap3A_65 = tpu.vector_load %arg11[%swap3A_63, %swap3A_64] {strides = array<i32>} : memref<104x128xf32, #tpu.memory_space<vmem>>, vector<1x16xf32>,
      %swap3A_66 = vector.shape_cast %swap3A_65 : vector<1x16xf32> to vector<16xf32>
      %swap3A_67 = vector.shape_cast %broadcast_in_dim3A_62 : vector<16xf32> to vector<1x16xf32>
      tpu.vector_store %arg11[%swap3A_63, %swap3A_64], %swap3A_67 {strides = array<i32>} : memref<104x128xf32, #tpu.memory_space<vmem>>, vector<1x16xf32>,
      %broadcast_in_dim3A_68 = arith.constant 0.000000e+00 : f32
      %broadcast_in_dim3A_69 = vector.broadcast %broadcast_in_dim3A_68 : f32 to vector<16xf32>
      %swap3A_70 = arith.index_cast %scan3A_34 : i32 to index
      %swap3A_71 = arith.constant 80 : index
      %swap3A_72 = tpu.vector_load %arg11[%swap3A_70, %swap3A_71] {strides = array<i32>} : memref<104x128xf32, #tpu.memory_space<vmem>>, vector<1x16xf32>,
      %swap3A_73 = vector.shape_cast %swap3A_72 : vector<1x16xf32> to vector<16xf32>
      %swap3A_74 = vector.shape_cast %broadcast_in_dim3A_69 : vector<16xf32> to vector<1x16xf32>
      tpu.vector_store %arg11[%swap3A_70, %swap3A_71], %swap3A_74 {strides = array<i32>} : memref<104x128xf32, #tpu.memory_space<vmem>>, vector<1x16xf32>,
      %broadcast_in_dim3A_75 = arith.constant 0.000000e+00 : f32
      %broadcast_in_dim3A_76 = vector.broadcast %broadcast_in_dim3A_75 : f32 to vector<16xf32>
      %swap3A_77 = arith.index_cast %scan3A_34 : i32 to index
      %swap3A_78 = arith.constant 96 : index
      %swap3A_79 = tpu.vector_load %arg11[%swap3A_77, %swap3A_78] {strides = array<i32>} : memref<104x128xf32, #tpu.memory_space<vmem>>, vector<1x16xf32>,
      %swap3A_80 = vector.shape_cast %swap3A_79 : vector<1x16xf32> to vector<16xf32>
      %swap3A_81 = vector.shape_cast %broadcast_in_dim3A_76 : vector<16xf32> to vector<1x16xf32>
      tpu.vector_store %arg11[%swap3A_77, %swap3A_78], %swap3A_81 {strides = array<i32>} : memref<104x128xf32, #tpu.memory_space<vmem>>, vector<1x16xf32>,
      %broadcast_in_dim3A_82 = arith.constant 0.000000e+00 : f32
      %broadcast_in_dim3A_83 = vector.broadcast %broadcast_in_dim3A_82 : f32 to vector<16xf32>
      %swap3A_84 = arith.index_cast %scan3A_34 : i32 to index
      %swap3A_85 = arith.constant 112 : index
      %swap3A_86 = tpu.vector_load %arg11[%swap3A_84, %swap3A_85] {strides = array<i32>} : memref<104x128xf32, #tpu.memory_space<vmem>>, vector<1x16xf32>,
      %swap3A_87 = vector.shape_cast %swap3A_86 : vector<1x16xf32> to vector<16xf32>
      %swap3A_88 = vector.shape_cast %broadcast_in_dim3A_83 : vector<16xf32> to vector<1x16xf32>
      tpu.vector_store %arg11[%swap3A_84, %swap3A_85], %swap3A_88 {strides = array<i32>} : memref<104x128xf32, #tpu.memory_space<vmem>>, vector<1x16xf32>,
    }
    %scan3A_5 = arith.constant 104 : i32
    %mul3A_6 = arith.constant 624 : i32
    %mul3A_7 = arith.muli %arg1, %mul3A_6 : i32
    %add3A_8 = arith.constant 0 : i32
    %add3A_9 = arith.addi %mul3A_7, %add3A_8 : i32
    "tpu.region"() ({
      %run_scoped3A = tpu.sem_alloc : memref<!tpu.dma_semaphore, #tpu.memory_space<semaphore_mem>>
      %dma_start3A = arith.constant 0 : i32
      %dma_start3A_34 = tpu.memref_slice %arg12[%add3A_9, %dma_start3A] : memref<10000x128xf32, #tpu.memory_space<vmem_shared>> -> memref<104x128xf32, #tpu.memory_space<vmem_shared>>
      %dma_start3A_35 = arith.constant 0 : i32
      %dma_start3A_36 = tpu.memref_slice %arg12[%add3A_9, %dma_start3A_35] : memref<10000x128xf32, #tpu.memory_space<vmem_shared>> -> memref<104x128xf32, #tpu.memory_space<vmem_shared>>
      tpu.enqueue_dma source(%arg11 : memref<104x128xf32, #tpu.memory_space<vmem>>) target(%dma_start3A_36 : memref<104x128xf32, #tpu.memory_space<vmem_shared>>) target_semaphore(%run_scoped3A : memref<!tpu.dma_semaphore, #tpu.memory_space<semaphore_mem>>)
      %dma_wait3A = arith.constant 0 : i32
      %dma_wait3A_37 = tpu.memref_slice %arg12[%add3A_9, %dma_wait3A] : memref<10000x128xf32, #tpu.memory_space<vmem_shared>> -> memref<104x128xf32, #tpu.memory_space<vmem_shared>>
      %dma_wait3A_38 = arith.constant 0 : i32
      %dma_wait3A_39 = tpu.memref_slice %arg12[%add3A_9, %dma_wait3A_38] : memref<10000x128xf32, #tpu.memory_space<vmem_shared>> -> memref<104x128xf32, #tpu.memory_space<vmem_shared>>
      tpu.wait_dma2 semaphore(%run_scoped3A : memref<!tpu.dma_semaphore, #tpu.memory_space<semaphore_mem>>) src(%arg11 : memref<104x128xf32, #tpu.memory_space<vmem>>) dst(%dma_wait3A_39 : memref<104x128xf32, #tpu.memory_space<vmem_shared>>)
      tpu.yield
    }) : () -> ()
    %add3A_10 = arith.constant 104 : i32
    %add3A_11 = arith.addi %mul3A_7, %add3A_10 : i32
    "tpu.region"() ({
      %run_scoped3A = tpu.sem_alloc : memref<!tpu.dma_semaphore, #tpu.memory_space<semaphore_mem>>
      %dma_start3A = arith.constant 0 : i32
      %dma_start3A_34 = tpu.memref_slice %arg12[%add3A_11, %dma_start3A] : memref<10000x128xf32, #tpu.memory_space<vmem_shared>> -> memref<104x128xf32, #tpu.memory_space<vmem_shared>>
      %dma_start3A_35 = arith.constant 0 : i32
      %dma_start3A_36 = tpu.memref_slice %arg12[%add3A_11, %dma_start3A_35] : memref<10000x128xf32, #tpu.memory_space<vmem_shared>> -> memref<104x128xf32, #tpu.memory_space<vmem_shared>>
      tpu.enqueue_dma source(%arg11 : memref<104x128xf32, #tpu.memory_space<vmem>>) target(%dma_start3A_36 : memref<104x128xf32, #tpu.memory_space<vmem_shared>>) target_semaphore(%run_scoped3A : memref<!tpu.dma_semaphore, #tpu.memory_space<semaphore_mem>>)
      %dma_wait3A = arith.constant 0 : i32
      %dma_wait3A_37 = tpu.memref_slice %arg12[%add3A_11, %dma_wait3A] : memref<10000x128xf32, #tpu.memory_space<vmem_shared>> -> memref<104x128xf32, #tpu.memory_space<vmem_shared>>
      %dma_wait3A_38 = arith.constant 0 : i32
      %dma_wait3A_39 = tpu.memref_slice %arg12[%add3A_11, %dma_wait3A_38] : memref<10000x128xf32, #tpu.memory_space<vmem_shared>> -> memref<104x128xf32, #tpu.memory_space<vmem_shared>>
      tpu.wait_dma2 semaphore(%run_scoped3A : memref<!tpu.dma_semaphore, #tpu.memory_space<semaphore_mem>>) src(%arg11 : memref<104x128xf32, #tpu.memory_space<vmem>>) dst(%dma_wait3A_39 : memref<104x128xf32, #tpu.memory_space<vmem_shared>>)
      tpu.yield
    }) : () -> ()
    %add3A_12 = arith.constant 208 : i32
    %add3A_13 = arith.addi %mul3A_7, %add3A_12 : i32
    "tpu.region"() ({
      %run_scoped3A = tpu.sem_alloc : memref<!tpu.dma_semaphore, #tpu.memory_space<semaphore_mem>>
      %dma_start3A = arith.constant 0 : i32
      %dma_start3A_34 = tpu.memref_slice %arg12[%add3A_13, %dma_start3A] : memref<10000x128xf32, #tpu.memory_space<vmem_shared>> -> memref<104x128xf32, #tpu.memory_space<vmem_shared>>
      %dma_start3A_35 = arith.constant 0 : i32
      %dma_start3A_36 = tpu.memref_slice %arg12[%add3A_13, %dma_start3A_35] : memref<10000x128xf32, #tpu.memory_space<vmem_shared>> -> memref<104x128xf32, #tpu.memory_space<vmem_shared>>
      tpu.enqueue_dma source(%arg11 : memref<104x128xf32, #tpu.memory_space<vmem>>) target(%dma_start3A_36 : memref<104x128xf32, #tpu.memory_space<vmem_shared>>) target_semaphore(%run_scoped3A : memref<!tpu.dma_semaphore, #tpu.memory_space<semaphore_mem>>)
      %dma_wait3A = arith.constant 0 : i32
      %dma_wait3A_37 = tpu.memref_slice %arg12[%add3A_13, %dma_wait3A] : memref<10000x128xf32, #tpu.memory_space<vmem_shared>> -> memref<104x128xf32, #tpu.memory_space<vmem_shared>>
      %dma_wait3A_38 = arith.constant 0 : i32
      %dma_wait3A_39 = tpu.memref_slice %arg12[%add3A_13, %dma_wait3A_38] : memref<10000x128xf32, #tpu.memory_space<vmem_shared>> -> memref<104x128xf32, #tpu.memory_space<vmem_shared>>
      tpu.wait_dma2 semaphore(%run_scoped3A : memref<!tpu.dma_semaphore, #tpu.memory_space<semaphore_mem>>) src(%arg11 : memref<104x128xf32, #tpu.memory_space<vmem>>) dst(%dma_wait3A_39 : memref<104x128xf32, #tpu.memory_space<vmem_shared>>)
      tpu.yield
    }) : () -> ()
    %add3A_14 = arith.constant 312 : i32
    %add3A_15 = arith.addi %mul3A_7, %add3A_14 : i32
    "tpu.region"() ({
      %run_scoped3A = tpu.sem_alloc : memref<!tpu.dma_semaphore, #tpu.memory_space<semaphore_mem>>
      %dma_start3A = arith.constant 0 : i32
      %dma_start3A_34 = tpu.memref_slice %arg12[%add3A_15, %dma_start3A] : memref<10000x128xf32, #tpu.memory_space<vmem_shared>> -> memref<104x128xf32, #tpu.memory_space<vmem_shared>>
      %dma_start3A_35 = arith.constant 0 : i32
      %dma_start3A_36 = tpu.memref_slice %arg12[%add3A_15, %dma_start3A_35] : memref<10000x128xf32, #tpu.memory_space<vmem_shared>> -> memref<104x128xf32, #tpu.memory_space<vmem_shared>>
      tpu.enqueue_dma source(%arg11 : memref<104x128xf32, #tpu.memory_space<vmem>>) target(%dma_start3A_36 : memref<104x128xf32, #tpu.memory_space<vmem_shared>>) target_semaphore(%run_scoped3A : memref<!tpu.dma_semaphore, #tpu.memory_space<semaphore_mem>>)
      %dma_wait3A = arith.constant 0 : i32
      %dma_wait3A_37 = tpu.memref_slice %arg12[%add3A_15, %dma_wait3A] : memref<10000x128xf32, #tpu.memory_space<vmem_shared>> -> memref<104x128xf32, #tpu.memory_space<vmem_shared>>
      %dma_wait3A_38 = arith.constant 0 : i32
      %dma_wait3A_39 = tpu.memref_slice %arg12[%add3A_15, %dma_wait3A_38] : memref<10000x128xf32, #tpu.memory_space<vmem_shared>> -> memref<104x128xf32, #tpu.memory_space<vmem_shared>>
      tpu.wait_dma2 semaphore(%run_scoped3A : memref<!tpu.dma_semaphore, #tpu.memory_space<semaphore_mem>>) src(%arg11 : memref<104x128xf32, #tpu.memory_space<vmem>>) dst(%dma_wait3A_39 : memref<104x128xf32, #tpu.memory_space<vmem_shared>>)
      tpu.yield
    }) : () -> ()
    %add3A_16 = arith.constant 416 : i32
    %add3A_17 = arith.addi %mul3A_7, %add3A_16 : i32
    "tpu.region"() ({
      %run_scoped3A = tpu.sem_alloc : memref<!tpu.dma_semaphore, #tpu.memory_space<semaphore_mem>>
      %dma_start3A = arith.constant 0 : i32
      %dma_start3A_34 = tpu.memref_slice %arg12[%add3A_17, %dma_start3A] : memref<10000x128xf32, #tpu.memory_space<vmem_shared>> -> memref<104x128xf32, #tpu.memory_space<vmem_shared>>
      %dma_start3A_35 = arith.constant 0 : i32
      %dma_start3A_36 = tpu.memref_slice %arg12[%add3A_17, %dma_start3A_35] : memref<10000x128xf32, #tpu.memory_space<vmem_shared>> -> memref<104x128xf32, #tpu.memory_space<vmem_shared>>
      tpu.enqueue_dma source(%arg11 : memref<104x128xf32, #tpu.memory_space<vmem>>) target(%dma_start3A_36 : memref<104x128xf32, #tpu.memory_space<vmem_shared>>) target_semaphore(%run_scoped3A : memref<!tpu.dma_semaphore, #tpu.memory_space<semaphore_mem>>)
      %dma_wait3A = arith.constant 0 : i32
      %dma_wait3A_37 = tpu.memref_slice %arg12[%add3A_17, %dma_wait3A] : memref<10000x128xf32, #tpu.memory_space<vmem_shared>> -> memref<104x128xf32, #tpu.memory_space<vmem_shared>>
      %dma_wait3A_38 = arith.constant 0 : i32
      %dma_wait3A_39 = tpu.memref_slice %arg12[%add3A_17, %dma_wait3A_38] : memref<10000x128xf32, #tpu.memory_space<vmem_shared>> -> memref<104x128xf32, #tpu.memory_space<vmem_shared>>
      tpu.wait_dma2 semaphore(%run_scoped3A : memref<!tpu.dma_semaphore, #tpu.memory_space<semaphore_mem>>) src(%arg11 : memref<104x128xf32, #tpu.memory_space<vmem>>) dst(%dma_wait3A_39 : memref<104x128xf32, #tpu.memory_space<vmem_shared>>)
      tpu.yield
    }) : () -> ()
    %add3A_18 = arith.constant 520 : i32
    %add3A_19 = arith.addi %mul3A_7, %add3A_18 : i32
    "tpu.region"() ({
      %run_scoped3A = tpu.sem_alloc : memref<!tpu.dma_semaphore, #tpu.memory_space<semaphore_mem>>
      %dma_start3A = arith.constant 0 : i32
      %dma_start3A_34 = tpu.memref_slice %arg12[%add3A_19, %dma_start3A] : memref<10000x128xf32, #tpu.memory_space<vmem_shared>> -> memref<104x128xf32, #tpu.memory_space<vmem_shared>>
      %dma_start3A_35 = arith.constant 0 : i32
      %dma_start3A_36 = tpu.memref_slice %arg12[%add3A_19, %dma_start3A_35] : memref<10000x128xf32, #tpu.memory_space<vmem_shared>> -> memref<104x128xf32, #tpu.memory_space<vmem_shared>>
      tpu.enqueue_dma source(%arg11 : memref<104x128xf32, #tpu.memory_space<vmem>>) target(%dma_start3A_36 : memref<104x128xf32, #tpu.memory_space<vmem_shared>>) target_semaphore(%run_scoped3A : memref<!tpu.dma_semaphore, #tpu.memory_space<semaphore_mem>>)
      %dma_wait3A = arith.constant 0 : i32
      %dma_wait3A_37 = tpu.memref_slice %arg12[%add3A_19, %dma_wait3A] : memref<10000x128xf32, #tpu.memory_space<vmem_shared>> -> memref<104x128xf32, #tpu.memory_space<vmem_shared>>
      %dma_wait3A_38 = arith.constant 0 : i32
      %dma_wait3A_39 = tpu.memref_slice %arg12[%add3A_19, %dma_wait3A_38] : memref<10000x128xf32, #tpu.memory_space<vmem_shared>> -> memref<104x128xf32, #tpu.memory_space<vmem_shared>>
      tpu.wait_dma2 semaphore(%run_scoped3A : memref<!tpu.dma_semaphore, #tpu.memory_space<semaphore_mem>>) src(%arg11 : memref<104x128xf32, #tpu.memory_space<vmem>>) dst(%dma_wait3A_39 : memref<104x128xf32, #tpu.memory_space<vmem_shared>>)
      tpu.yield
    }) : () -> ()
    %eq3A = arith.constant 15 : i32
    %eq3A_20 = arith.cmpi eq, %arg1, %eq3A : i32
    %convert_element_type3A = arith.extui %eq3A_20 : i1 to i32
    %cond3A = arith.constant 0 : i32
    %cond3A_21 = arith.cmpi ne, %convert_element_type3A, %cond3A : i32
    scf.if %cond3A_21 {
      "tpu.region"() ({
        %run_scoped3A = tpu.sem_alloc : memref<!tpu.dma_semaphore, #tpu.memory_space<semaphore_mem>>
        %dma_start3A = arith.constant 0 : i32
        %dma_start3A_34 = arith.constant 0 : i32
        %dma_start3A_35 = tpu.memref_slice %arg11[%dma_start3A, %dma_start3A_34] : memref<104x128xf32, #tpu.memory_space<vmem>> -> memref<16x128xf32, #tpu.memory_space<vmem>>
        %dma_start3A_36 = arith.constant 9984 : i32
        %dma_start3A_37 = arith.constant 0 : i32
        %dma_start3A_38 = tpu.memref_slice %arg12[%dma_start3A_36, %dma_start3A_37] : memref<10000x128xf32, #tpu.memory_space<vmem_shared>> -> memref<16x128xf32, #tpu.memory_space<vmem_shared>>
        %dma_start3A_39 = arith.constant 9984 : i32
        %dma_start3A_40 = arith.constant 0 : i32
        %dma_start3A_41 = tpu.memref_slice %arg12[%dma_start3A_39, %dma_start3A_40] : memref<10000x128xf32, #tpu.memory_space<vmem_shared>> -> memref<16x128xf32, #tpu.memory_space<vmem_shared>>
        %dma_start3A_42 = arith.constant 0 : i32
        %dma_start3A_43 = arith.constant 0 : i32
        %dma_start3A_44 = tpu.memref_slice %arg11[%dma_start3A_42, %dma_start3A_43] : memref<104x128xf32, #tpu.memory_space<vmem>> -> memref<16x128xf32, #tpu.memory_space<vmem>>
        tpu.enqueue_dma source(%dma_start3A_44 : memref<16x128xf32, #tpu.memory_space<vmem>>) target(%dma_start3A_41 : memref<16x128xf32, #tpu.memory_space<vmem_shared>>) target_semaphore(%run_scoped3A : memref<!tpu.dma_semaphore, #tpu.memory_space<semaphore_mem>>)
        %dma_wait3A = arith.constant 0 : i32
        %dma_wait3A_45 = arith.constant 0 : i32
        %dma_wait3A_46 = tpu.memref_slice %arg11[%dma_wait3A, %dma_wait3A_45] : memref<104x128xf32, #tpu.memory_space<vmem>> -> memref<16x128xf32, #tpu.memory_space<vmem>>
        %dma_wait3A_47 = arith.constant 9984 : i32
        %dma_wait3A_48 = arith.constant 0 : i32
        %dma_wait3A_49 = tpu.memref_slice %arg12[%dma_wait3A_47, %dma_wait3A_48] : memref<10000x128xf32, #tpu.memory_space<vmem_shared>> -> memref<16x128xf32, #tpu.memory_space<vmem_shared>>
        %dma_wait3A_50 = arith.constant 9984 : i32
        %dma_wait3A_51 = arith.constant 0 : i32
        %dma_wait3A_52 = tpu.memref_slice %arg12[%dma_wait3A_50, %dma_wait3A_51] : memref<10000x128xf32, #tpu.memory_space<vmem_shared>> -> memref<16x128xf32, #tpu.memory_space<vmem_shared>>
        %dma_wait3A_53 = arith.constant 0 : i32
        %dma_wait3A_54 = arith.constant 0 : i32
        %dma_wait3A_55 = tpu.memref_slice %arg11[%dma_wait3A_53, %dma_wait3A_54] : memref<104x128xf32, #tpu.memory_space<vmem>> -> memref<16x128xf32, #tpu.memory_space<vmem>>
        tpu.wait_dma2 semaphore(%run_scoped3A : memref<!tpu.dma_semaphore, #tpu.memory_space<semaphore_mem>>) src(%dma_wait3A_55 : memref<16x128xf32, #tpu.memory_space<vmem>>) dst(%dma_wait3A_52 : memref<16x128xf32, #tpu.memory_space<vmem_shared>>)
        tpu.yield
      }) : () -> ()
    } else {
    }
    %barrier3A = arith.constant 0 : index
    tpu.barrier barrier_id(%barrier3A)
    %scan3A_22 = arith.constant 0 : i32
    %scan3A_23 = arith.constant 0 : i32
    %scan3A_24 = arith.constant 79 : i32
    %scan3A_25 = arith.addi %scan3A_23, %scan3A_24 : i32
    %scan3A_26 = arith.constant 1 : i32
    scf.for %scan3A_34 = %scan3A_23 to %scan3A_25 step %scan3A_26  : i32 {
      %mul3A_35 = arith.constant 32 : i32
      %mul3A_36 = arith.muli %mul3A_35, %scan3A_34 : i32
      %add3A_37 = arith.addi %add3A, %mul3A_36 : i32
      %lt3A = arith.constant 2500 : i32
      %lt3A_38 = arith.cmpi slt, %add3A_37, %lt3A : i32
      %convert_element_type3A_39 = arith.extui %lt3A_38 : i1 to i32
      %cond3A_40 = arith.constant 0 : i32
      %cond3A_41 = arith.cmpi ne, %convert_element_type3A_39, %cond3A_40 : i32
      scf.if %cond3A_41 {
        %mul3A_42 = arith.constant 128 : i32
        %mul3A_43 = arith.muli %add3A_37, %mul3A_42 : i32
        "tpu.region"() ({
          %run_scoped3A = tpu.sem_alloc : memref<!tpu.dma_semaphore, #tpu.memory_space<semaphore_mem>>
          %dma_start3A_54 = tpu.memref_slice %arg3[%mul3A_43] : memref<320000xi32, #tpu.memory_space<hbm>> -> memref<128xi32, #tpu.memory_space<hbm>>
          %dma_start3A_55 = tpu.memref_slice %arg3[%mul3A_43] : memref<320000xi32, #tpu.memory_space<hbm>> -> memref<128xi32, #tpu.memory_space<hbm>>
          tpu.enqueue_dma source(%dma_start3A_55 : memref<128xi32, #tpu.memory_space<hbm>>) target(%arg7 : memref<128xi32, #tpu.memory_space<vmem>>) target_semaphore(%run_scoped3A : memref<!tpu.dma_semaphore, #tpu.memory_space<semaphore_mem>>)
          %dma_wait3A_56 = tpu.memref_slice %arg3[%mul3A_43] : memref<320000xi32, #tpu.memory_space<hbm>> -> memref<128xi32, #tpu.memory_space<hbm>>
          %dma_wait3A_57 = tpu.memref_slice %arg3[%mul3A_43] : memref<320000xi32, #tpu.memory_space<hbm>> -> memref<128xi32, #tpu.memory_space<hbm>>
          tpu.wait_dma2 semaphore(%run_scoped3A : memref<!tpu.dma_semaphore, #tpu.memory_space<semaphore_mem>>) src(%dma_wait3A_57 : memref<128xi32, #tpu.memory_space<hbm>>) dst(%arg7 : memref<128xi32, #tpu.memory_space<vmem>>)
          tpu.yield
        }) : () -> ()
        "tpu.region"() ({
          %run_scoped3A = tpu.sem_alloc : memref<!tpu.dma_semaphore, #tpu.memory_space<semaphore_mem>>
          %dma_start3A_54 = tpu.memref_slice %arg4[%mul3A_43] : memref<320000xi32, #tpu.memory_space<hbm>> -> memref<128xi32, #tpu.memory_space<hbm>>
          %dma_start3A_55 = tpu.memref_slice %arg4[%mul3A_43] : memref<320000xi32, #tpu.memory_space<hbm>> -> memref<128xi32, #tpu.memory_space<hbm>>
          tpu.enqueue_dma source(%dma_start3A_55 : memref<128xi32, #tpu.memory_space<hbm>>) target(%arg8 : memref<128xi32, #tpu.memory_space<vmem>>) target_semaphore(%run_scoped3A : memref<!tpu.dma_semaphore, #tpu.memory_space<semaphore_mem>>)
          %dma_wait3A_56 = tpu.memref_slice %arg4[%mul3A_43] : memref<320000xi32, #tpu.memory_space<hbm>> -> memref<128xi32, #tpu.memory_space<hbm>>
          %dma_wait3A_57 = tpu.memref_slice %arg4[%mul3A_43] : memref<320000xi32, #tpu.memory_space<hbm>> -> memref<128xi32, #tpu.memory_space<hbm>>
          tpu.wait_dma2 semaphore(%run_scoped3A : memref<!tpu.dma_semaphore, #tpu.memory_space<semaphore_mem>>) src(%dma_wait3A_57 : memref<128xi32, #tpu.memory_space<hbm>>) dst(%arg8 : memref<128xi32, #tpu.memory_space<vmem>>)
          tpu.yield
        }) : () -> ()
        %dma_start3A = arith.constant 0 : i32
        %dma_start3A_44 = arith.constant 0 : i32
        %dma_start3A_45 = tpu.memref_slice %arg2[%dma_start3A, %dma_start3A_44] : memref<10000x128xf32, #tpu.memory_space<hbm>> -> memref<10000x128xf32, #tpu.memory_space<hbm>>
        tpu.enqueue_indirect_dma source(%dma_start3A_45 : memref<10000x128xf32, #tpu.memory_space<hbm>>) target(%arg9 : memref<128x128xf32, #tpu.memory_space<vmem>>) offsets(%arg7 : memref<128xi32, #tpu.memory_space<vmem>>) semaphore(%arg13 : memref<!tpu.dma_semaphore, #tpu.memory_space<semaphore_mem>>)
        "tpu.region"() ({
          %run_scoped3A = tpu.sem_alloc : memref<!tpu.dma_semaphore, #tpu.memory_space<semaphore_mem>>
          %dma_start3A_54 = arith.constant 0 : i32
          %dma_start3A_55 = tpu.memref_slice %arg5[%mul3A_43, %dma_start3A_54] : memref<320000x64xf32, #tpu.memory_space<hbm>> -> memref<128x64xf32, #tpu.memory_space<hbm>>
          %dma_start3A_56 = arith.constant 0 : i32
          %dma_start3A_57 = tpu.memref_slice %arg5[%mul3A_43, %dma_start3A_56] : memref<320000x64xf32, #tpu.memory_space<hbm>> -> memref<128x64xf32, #tpu.memory_space<hbm>>
          tpu.enqueue_dma source(%dma_start3A_57 : memref<128x64xf32, #tpu.memory_space<hbm>>) target(%arg10 : memref<128x64xf32, #tpu.memory_space<vmem>>) target_semaphore(%run_scoped3A : memref<!tpu.dma_semaphore, #tpu.memory_space<semaphore_mem>>)
          %dma_wait3A_58 = arith.constant 0 : i32
          %dma_wait3A_59 = tpu.memref_slice %arg5[%mul3A_43, %dma_wait3A_58] : memref<320000x64xf32, #tpu.memory_space<hbm>> -> memref<128x64xf32, #tpu.memory_space<hbm>>
          %dma_wait3A_60 = arith.constant 0 : i32
          %dma_wait3A_61 = tpu.memref_slice %arg5[%mul3A_43, %dma_wait3A_60] : memref<320000x64xf32, #tpu.memory_space<hbm>> -> memref<128x64xf32, #tpu.memory_space<hbm>>
          tpu.wait_dma2 semaphore(%run_scoped3A : memref<!tpu.dma_semaphore, #tpu.memory_space<semaphore_mem>>) src(%dma_wait3A_61 : memref<128x64xf32, #tpu.memory_space<hbm>>) dst(%arg10 : memref<128x64xf32, #tpu.memory_space<vmem>>)
          tpu.yield
        }) : () -> ()
        %dma_wait3A = arith.constant 0 : i32
        %dma_wait3A_46 = arith.constant 0 : i32
        %dma_wait3A_47 = tpu.memref_slice %arg2[%dma_wait3A, %dma_wait3A_46] : memref<10000x128xf32, #tpu.memory_space<hbm>> -> memref<10000x128xf32, #tpu.memory_space<hbm>>
        tpu.wait_indirect_dma semaphore(%arg13 : memref<!tpu.dma_semaphore, #tpu.memory_space<semaphore_mem>>) src(%dma_wait3A_47 : memref<10000x128xf32, #tpu.memory_space<hbm>>) dst(%arg9 : memref<128x128xf32, #tpu.memory_space<vmem>>)
        %scan3A_48 = arith.constant 0 : i32
        %scan3A_49 = arith.constant 0 : i32
        %scan3A_50 = arith.constant 128 : i32
        %scan3A_51 = arith.addi %scan3A_49, %scan3A_50 : i32
        %scan3A_52 = arith.constant 1 : i32
        scf.for %scan3A_54 = %scan3A_49 to %scan3A_51 step %scan3A_52  : i32 {
          %get3A = arith.index_cast %scan3A_54 : i32 to index
          %get3A_55 = arith.constant 0 : index
          %get3A_56 = tpu.vector_load %arg10[%get3A, %get3A_55] {strides = array<i32>} : memref<128x64xf32, #tpu.memory_space<vmem>>, vector<1x16xf32>,
          %get3A_57 = vector.shape_cast %get3A_56 : vector<1x16xf32> to vector<16xf32>
          %get3A_58 = arith.index_cast %scan3A_54 : i32 to index
          %get3A_59 = arith.constant 0 : index
          %get3A_60 = tpu.vector_load %arg9[%get3A_58, %get3A_59] {strides = array<i32>} : memref<128x128xf32, #tpu.memory_space<vmem>>, vector<1x16xf32>,
          %get3A_61 = vector.shape_cast %get3A_60 : vector<1x16xf32> to vector<16xf32>
          %add3A_62 = arith.addf %get3A_61, %get3A_57 : vector<16xf32>
          %max3A = arith.constant 0.000000e+00 : f32
          %max3A_63 = vector.broadcast %max3A : f32 to vector<16xf32>
          %max3A_64 = arith.maximumf %add3A_62, %max3A_63 : vector<16xf32>
          %swap3A = arith.index_cast %scan3A_54 : i32 to index
          %swap3A_65 = arith.constant 0 : index
          %swap3A_66 = tpu.vector_load %arg9[%swap3A, %swap3A_65] {strides = array<i32>} : memref<128x128xf32, #tpu.memory_space<vmem>>, vector<1x16xf32>,
          %swap3A_67 = vector.shape_cast %swap3A_66 : vector<1x16xf32> to vector<16xf32>
          %swap3A_68 = vector.shape_cast %max3A_64 : vector<16xf32> to vector<1x16xf32>
          tpu.vector_store %arg9[%swap3A, %swap3A_65], %swap3A_68 {strides = array<i32>} : memref<128x128xf32, #tpu.memory_space<vmem>>, vector<1x16xf32>,
          %get3A_69 = arith.index_cast %scan3A_54 : i32 to index
          %get3A_70 = arith.constant 16 : index
          %get3A_71 = tpu.vector_load %arg10[%get3A_69, %get3A_70] {strides = array<i32>} : memref<128x64xf32, #tpu.memory_space<vmem>>, vector<1x16xf32>,
          %get3A_72 = vector.shape_cast %get3A_71 : vector<1x16xf32> to vector<16xf32>
          %get3A_73 = arith.index_cast %scan3A_54 : i32 to index
          %get3A_74 = arith.constant 16 : index
          %get3A_75 = tpu.vector_load %arg9[%get3A_73, %get3A_74] {strides = array<i32>} : memref<128x128xf32, #tpu.memory_space<vmem>>, vector<1x16xf32>,
          %get3A_76 = vector.shape_cast %get3A_75 : vector<1x16xf32> to vector<16xf32>
          %add3A_77 = arith.addf %get3A_76, %get3A_72 : vector<16xf32>
          %max3A_78 = arith.constant 0.000000e+00 : f32
          %max3A_79 = vector.broadcast %max3A_78 : f32 to vector<16xf32>
          %max3A_80 = arith.maximumf %add3A_77, %max3A_79 : vector<16xf32>
          %swap3A_81 = arith.index_cast %scan3A_54 : i32 to index
          %swap3A_82 = arith.constant 16 : index
          %swap3A_83 = tpu.vector_load %arg9[%swap3A_81, %swap3A_82] {strides = array<i32>} : memref<128x128xf32, #tpu.memory_space<vmem>>, vector<1x16xf32>,
          %swap3A_84 = vector.shape_cast %swap3A_83 : vector<1x16xf32> to vector<16xf32>
          %swap3A_85 = vector.shape_cast %max3A_80 : vector<16xf32> to vector<1x16xf32>
          tpu.vector_store %arg9[%swap3A_81, %swap3A_82], %swap3A_85 {strides = array<i32>} : memref<128x128xf32, #tpu.memory_space<vmem>>, vector<1x16xf32>,
          %get3A_86 = arith.index_cast %scan3A_54 : i32 to index
          %get3A_87 = arith.constant 32 : index
          %get3A_88 = tpu.vector_load %arg10[%get3A_86, %get3A_87] {strides = array<i32>} : memref<128x64xf32, #tpu.memory_space<vmem>>, vector<1x16xf32>,
          %get3A_89 = vector.shape_cast %get3A_88 : vector<1x16xf32> to vector<16xf32>
          %get3A_90 = arith.index_cast %scan3A_54 : i32 to index
          %get3A_91 = arith.constant 32 : index
          %get3A_92 = tpu.vector_load %arg9[%get3A_90, %get3A_91] {strides = array<i32>} : memref<128x128xf32, #tpu.memory_space<vmem>>, vector<1x16xf32>,
          %get3A_93 = vector.shape_cast %get3A_92 : vector<1x16xf32> to vector<16xf32>
          %add3A_94 = arith.addf %get3A_93, %get3A_89 : vector<16xf32>
          %max3A_95 = arith.constant 0.000000e+00 : f32
          %max3A_96 = vector.broadcast %max3A_95 : f32 to vector<16xf32>
          %max3A_97 = arith.maximumf %add3A_94, %max3A_96 : vector<16xf32>
          %swap3A_98 = arith.index_cast %scan3A_54 : i32 to index
          %swap3A_99 = arith.constant 32 : index
          %swap3A_100 = tpu.vector_load %arg9[%swap3A_98, %swap3A_99] {strides = array<i32>} : memref<128x128xf32, #tpu.memory_space<vmem>>, vector<1x16xf32>,
          %swap3A_101 = vector.shape_cast %swap3A_100 : vector<1x16xf32> to vector<16xf32>
          %swap3A_102 = vector.shape_cast %max3A_97 : vector<16xf32> to vector<1x16xf32>
          tpu.vector_store %arg9[%swap3A_98, %swap3A_99], %swap3A_102 {strides = array<i32>} : memref<128x128xf32, #tpu.memory_space<vmem>>, vector<1x16xf32>,
          %get3A_103 = arith.index_cast %scan3A_54 : i32 to index
          %get3A_104 = arith.constant 48 : index
          %get3A_105 = tpu.vector_load %arg10[%get3A_103, %get3A_104] {strides = array<i32>} : memref<128x64xf32, #tpu.memory_space<vmem>>, vector<1x16xf32>,
          %get3A_106 = vector.shape_cast %get3A_105 : vector<1x16xf32> to vector<16xf32>
          %get3A_107 = arith.index_cast %scan3A_54 : i32 to index
          %get3A_108 = arith.constant 48 : index
          %get3A_109 = tpu.vector_load %arg9[%get3A_107, %get3A_108] {strides = array<i32>} : memref<128x128xf32, #tpu.memory_space<vmem>>, vector<1x16xf32>,
          %get3A_110 = vector.shape_cast %get3A_109 : vector<1x16xf32> to vector<16xf32>
          %add3A_111 = arith.addf %get3A_110, %get3A_106 : vector<16xf32>
          %max3A_112 = arith.constant 0.000000e+00 : f32
          %max3A_113 = vector.broadcast %max3A_112 : f32 to vector<16xf32>
          %max3A_114 = arith.maximumf %add3A_111, %max3A_113 : vector<16xf32>
          %swap3A_115 = arith.index_cast %scan3A_54 : i32 to index
          %swap3A_116 = arith.constant 48 : index
          %swap3A_117 = tpu.vector_load %arg9[%swap3A_115, %swap3A_116] {strides = array<i32>} : memref<128x128xf32, #tpu.memory_space<vmem>>, vector<1x16xf32>,
          %swap3A_118 = vector.shape_cast %swap3A_117 : vector<1x16xf32> to vector<16xf32>
          %swap3A_119 = vector.shape_cast %max3A_114 : vector<16xf32> to vector<1x16xf32>
          tpu.vector_store %arg9[%swap3A_115, %swap3A_116], %swap3A_119 {strides = array<i32>} : memref<128x128xf32, #tpu.memory_space<vmem>>, vector<1x16xf32>,
          %get3A_120 = arith.index_cast %scan3A_54 : i32 to index
          %get3A_121 = arith.constant 0 : index
          %get3A_122 = tpu.vector_load %arg10[%get3A_120, %get3A_121] {strides = array<i32>} : memref<128x64xf32, #tpu.memory_space<vmem>>, vector<1x16xf32>,
          %get3A_123 = vector.shape_cast %get3A_122 : vector<1x16xf32> to vector<16xf32>
          %get3A_124 = arith.index_cast %scan3A_54 : i32 to index
          %get3A_125 = arith.constant 64 : index
          %get3A_126 = tpu.vector_load %arg9[%get3A_124, %get3A_125] {strides = array<i32>} : memref<128x128xf32, #tpu.memory_space<vmem>>, vector<1x16xf32>,
          %get3A_127 = vector.shape_cast %get3A_126 : vector<1x16xf32> to vector<16xf32>
          %add3A_128 = arith.addf %get3A_127, %get3A_123 : vector<16xf32>
          %max3A_129 = arith.constant 0.000000e+00 : f32
          %max3A_130 = vector.broadcast %max3A_129 : f32 to vector<16xf32>
          %max3A_131 = arith.maximumf %add3A_128, %max3A_130 : vector<16xf32>
          %swap3A_132 = arith.index_cast %scan3A_54 : i32 to index
          %swap3A_133 = arith.constant 64 : index
          %swap3A_134 = tpu.vector_load %arg9[%swap3A_132, %swap3A_133] {strides = array<i32>} : memref<128x128xf32, #tpu.memory_space<vmem>>, vector<1x16xf32>,
          %swap3A_135 = vector.shape_cast %swap3A_134 : vector<1x16xf32> to vector<16xf32>
          %swap3A_136 = vector.shape_cast %max3A_131 : vector<16xf32> to vector<1x16xf32>
          tpu.vector_store %arg9[%swap3A_132, %swap3A_133], %swap3A_136 {strides = array<i32>} : memref<128x128xf32, #tpu.memory_space<vmem>>, vector<1x16xf32>,
          %get3A_137 = arith.index_cast %scan3A_54 : i32 to index
          %get3A_138 = arith.constant 16 : index
          %get3A_139 = tpu.vector_load %arg10[%get3A_137, %get3A_138] {strides = array<i32>} : memref<128x64xf32, #tpu.memory_space<vmem>>, vector<1x16xf32>,
          %get3A_140 = vector.shape_cast %get3A_139 : vector<1x16xf32> to vector<16xf32>
          %get3A_141 = arith.index_cast %scan3A_54 : i32 to index
          %get3A_142 = arith.constant 80 : index
          %get3A_143 = tpu.vector_load %arg9[%get3A_141, %get3A_142] {strides = array<i32>} : memref<128x128xf32, #tpu.memory_space<vmem>>, vector<1x16xf32>,
          %get3A_144 = vector.shape_cast %get3A_143 : vector<1x16xf32> to vector<16xf32>
          %add3A_145 = arith.addf %get3A_144, %get3A_140 : vector<16xf32>
          %max3A_146 = arith.constant 0.000000e+00 : f32
          %max3A_147 = vector.broadcast %max3A_146 : f32 to vector<16xf32>
          %max3A_148 = arith.maximumf %add3A_145, %max3A_147 : vector<16xf32>
          %swap3A_149 = arith.index_cast %scan3A_54 : i32 to index
          %swap3A_150 = arith.constant 80 : index
          %swap3A_151 = tpu.vector_load %arg9[%swap3A_149, %swap3A_150] {strides = array<i32>} : memref<128x128xf32, #tpu.memory_space<vmem>>, vector<1x16xf32>,
          %swap3A_152 = vector.shape_cast %swap3A_151 : vector<1x16xf32> to vector<16xf32>
          %swap3A_153 = vector.shape_cast %max3A_148 : vector<16xf32> to vector<1x16xf32>
          tpu.vector_store %arg9[%swap3A_149, %swap3A_150], %swap3A_153 {strides = array<i32>} : memref<128x128xf32, #tpu.memory_space<vmem>>, vector<1x16xf32>,
          %get3A_154 = arith.index_cast %scan3A_54 : i32 to index
          %get3A_155 = arith.constant 32 : index
          %get3A_156 = tpu.vector_load %arg10[%get3A_154, %get3A_155] {strides = array<i32>} : memref<128x64xf32, #tpu.memory_space<vmem>>, vector<1x16xf32>,
          %get3A_157 = vector.shape_cast %get3A_156 : vector<1x16xf32> to vector<16xf32>
          %get3A_158 = arith.index_cast %scan3A_54 : i32 to index
          %get3A_159 = arith.constant 96 : index
          %get3A_160 = tpu.vector_load %arg9[%get3A_158, %get3A_159] {strides = array<i32>} : memref<128x128xf32, #tpu.memory_space<vmem>>, vector<1x16xf32>,
          %get3A_161 = vector.shape_cast %get3A_160 : vector<1x16xf32> to vector<16xf32>
          %add3A_162 = arith.addf %get3A_161, %get3A_157 : vector<16xf32>
          %max3A_163 = arith.constant 0.000000e+00 : f32
          %max3A_164 = vector.broadcast %max3A_163 : f32 to vector<16xf32>
          %max3A_165 = arith.maximumf %add3A_162, %max3A_164 : vector<16xf32>
          %swap3A_166 = arith.index_cast %scan3A_54 : i32 to index
          %swap3A_167 = arith.constant 96 : index
          %swap3A_168 = tpu.vector_load %arg9[%swap3A_166, %swap3A_167] {strides = array<i32>} : memref<128x128xf32, #tpu.memory_space<vmem>>, vector<1x16xf32>,
          %swap3A_169 = vector.shape_cast %swap3A_168 : vector<1x16xf32> to vector<16xf32>
          %swap3A_170 = vector.shape_cast %max3A_165 : vector<16xf32> to vector<1x16xf32>
          tpu.vector_store %arg9[%swap3A_166, %swap3A_167], %swap3A_170 {strides = array<i32>} : memref<128x128xf32, #tpu.memory_space<vmem>>, vector<1x16xf32>,
          %get3A_171 = arith.index_cast %scan3A_54 : i32 to index
          %get3A_172 = arith.constant 48 : index
          %get3A_173 = tpu.vector_load %arg10[%get3A_171, %get3A_172] {strides = array<i32>} : memref<128x64xf32, #tpu.memory_space<vmem>>, vector<1x16xf32>,
          %get3A_174 = vector.shape_cast %get3A_173 : vector<1x16xf32> to vector<16xf32>
          %get3A_175 = arith.index_cast %scan3A_54 : i32 to index
          %get3A_176 = arith.constant 112 : index
          %get3A_177 = tpu.vector_load %arg9[%get3A_175, %get3A_176] {strides = array<i32>} : memref<128x128xf32, #tpu.memory_space<vmem>>, vector<1x16xf32>,
          %get3A_178 = vector.shape_cast %get3A_177 : vector<1x16xf32> to vector<16xf32>
          %add3A_179 = arith.addf %get3A_178, %get3A_174 : vector<16xf32>
          %max3A_180 = arith.constant 0.000000e+00 : f32
          %max3A_181 = vector.broadcast %max3A_180 : f32 to vector<16xf32>
          %max3A_182 = arith.maximumf %add3A_179, %max3A_181 : vector<16xf32>
          %swap3A_183 = arith.index_cast %scan3A_54 : i32 to index
          %swap3A_184 = arith.constant 112 : index
          %swap3A_185 = tpu.vector_load %arg9[%swap3A_183, %swap3A_184] {strides = array<i32>} : memref<128x128xf32, #tpu.memory_space<vmem>>, vector<1x16xf32>,
          %swap3A_186 = vector.shape_cast %swap3A_185 : vector<1x16xf32> to vector<16xf32>
          %swap3A_187 = vector.shape_cast %max3A_182 : vector<16xf32> to vector<1x16xf32>
          tpu.vector_store %arg9[%swap3A_183, %swap3A_184], %swap3A_187 {strides = array<i32>} : memref<128x128xf32, #tpu.memory_space<vmem>>, vector<1x16xf32>,
        }
        %scan3A_53 = arith.constant 128 : i32
        "tpu.region"() ({
          %run_scoped3A = tpu.sem_alloc : memref<!tpu.dma_semaphore, #tpu.memory_space<semaphore_mem>>
          %dma_start3A_54 = arith.constant 0 : i32
          %dma_start3A_55 = arith.constant 0 : i32
          %dma_start3A_56 = tpu.memref_slice %arg12[%dma_start3A_54, %dma_start3A_55] : memref<10000x128xf32, #tpu.memory_space<vmem_shared>> -> memref<10000x128xf32, #tpu.memory_space<vmem_shared>>
          tpu.enqueue_indirect_dma source(%arg9 : memref<128x128xf32, #tpu.memory_space<vmem>>) target(%dma_start3A_56 : memref<10000x128xf32, #tpu.memory_space<vmem_shared>>) offsets(%arg8 : memref<128xi32, #tpu.memory_space<vmem>>) semaphore(%run_scoped3A : memref<!tpu.dma_semaphore, #tpu.memory_space<semaphore_mem>>) {add = true}
          %dma_wait3A_57 = arith.constant 0 : i32
          %dma_wait3A_58 = arith.constant 0 : i32
          %dma_wait3A_59 = tpu.memref_slice %arg12[%dma_wait3A_57, %dma_wait3A_58] : memref<10000x128xf32, #tpu.memory_space<vmem_shared>> -> memref<10000x128xf32, #tpu.memory_space<vmem_shared>>
          tpu.wait_indirect_dma semaphore(%run_scoped3A : memref<!tpu.dma_semaphore, #tpu.memory_space<semaphore_mem>>) src(%arg9 : memref<128x128xf32, #tpu.memory_space<vmem>>) dst(%dma_wait3A_59 : memref<10000x128xf32, #tpu.memory_space<vmem_shared>>)
          tpu.yield
        }) : () -> ()
      } else {
      }
    }
    %scan3A_27 = arith.constant 79 : i32
    %barrier3A_28 = arith.constant 0 : index
    tpu.barrier barrier_id(%barrier3A_28)
    "tpu.region"() ({
      %run_scoped3A = tpu.sem_alloc : memref<!tpu.dma_semaphore, #tpu.memory_space<semaphore_mem>>
      %dma_start3A = arith.constant 0 : i32
      %dma_start3A_34 = tpu.memref_slice %arg6[%arg0, %mul3A_7, %dma_start3A] : memref<2x10000x128xf32, #tpu.memory_space<hbm>> -> memref<1x624x128xf32, #tpu.memory_space<hbm>>
      %dma_start3A_35 = tpu.memref_squeeze %dma_start3A_34 : memref<1x624x128xf32, #tpu.memory_space<hbm>> -> memref<624x128xf32, #tpu.memory_space<hbm>>
      %dma_start3A_36 = arith.constant 0 : i32
      %dma_start3A_37 = tpu.memref_slice %arg12[%mul3A_7, %dma_start3A_36] : memref<10000x128xf32, #tpu.memory_space<vmem_shared>> -> memref<624x128xf32, #tpu.memory_space<vmem_shared>>
      tpu.enqueue_dma source(%dma_start3A_37 : memref<624x128xf32, #tpu.memory_space<vmem_shared>>) target(%dma_start3A_35 : memref<624x128xf32, #tpu.memory_space<hbm>>) target_semaphore(%run_scoped3A : memref<!tpu.dma_semaphore, #tpu.memory_space<semaphore_mem>>)
      %dma_wait3A = arith.constant 0 : i32
      %dma_wait3A_38 = tpu.memref_slice %arg6[%arg0, %mul3A_7, %dma_wait3A] : memref<2x10000x128xf32, #tpu.memory_space<hbm>> -> memref<1x624x128xf32, #tpu.memory_space<hbm>>
      %dma_wait3A_39 = tpu.memref_squeeze %dma_wait3A_38 : memref<1x624x128xf32, #tpu.memory_space<hbm>> -> memref<624x128xf32, #tpu.memory_space<hbm>>
      %dma_wait3A_40 = arith.constant 0 : i32
      %dma_wait3A_41 = tpu.memref_slice %arg12[%mul3A_7, %dma_wait3A_40] : memref<10000x128xf32, #tpu.memory_space<vmem_shared>> -> memref<624x128xf32, #tpu.memory_space<vmem_shared>>
      tpu.wait_dma2 semaphore(%run_scoped3A : memref<!tpu.dma_semaphore, #tpu.memory_space<semaphore_mem>>) src(%dma_wait3A_41 : memref<624x128xf32, #tpu.memory_space<vmem_shared>>) dst(%dma_wait3A_39 : memref<624x128xf32, #tpu.memory_space<hbm>>)
      tpu.yield
    }) : () -> ()
    %eq3A_29 = arith.constant 15 : i32
    %eq3A_30 = arith.cmpi eq, %arg1, %eq3A_29 : i32
    %convert_element_type3A_31 = arith.extui %eq3A_30 : i1 to i32
    %cond3A_32 = arith.constant 0 : i32
    %cond3A_33 = arith.cmpi ne, %convert_element_type3A_31, %cond3A_32 : i32
    scf.if %cond3A_33 {
      "tpu.region"() ({
        %run_scoped3A = tpu.sem_alloc : memref<!tpu.dma_semaphore, #tpu.memory_space<semaphore_mem>>
        %dma_start3A = arith.constant 9984 : i32
        %dma_start3A_34 = arith.constant 0 : i32
        %dma_start3A_35 = tpu.memref_slice %arg6[%arg0, %dma_start3A, %dma_start3A_34] : memref<2x10000x128xf32, #tpu.memory_space<hbm>> -> memref<1x16x128xf32, #tpu.memory_space<hbm>>
        %dma_start3A_36 = tpu.memref_squeeze %dma_start3A_35 : memref<1x16x128xf32, #tpu.memory_space<hbm>> -> memref<16x128xf32, #tpu.memory_space<hbm>>
        %dma_start3A_37 = arith.constant 9984 : i32
        %dma_start3A_38 = arith.constant 0 : i32
        %dma_start3A_39 = tpu.memref_slice %arg12[%dma_start3A_37, %dma_start3A_38] : memref<10000x128xf32, #tpu.memory_space<vmem_shared>> -> memref<16x128xf32, #tpu.memory_space<vmem_shared>>
        tpu.enqueue_dma source(%dma_start3A_39 : memref<16x128xf32, #tpu.memory_space<vmem_shared>>) target(%dma_start3A_36 : memref<16x128xf32, #tpu.memory_space<hbm>>) target_semaphore(%run_scoped3A : memref<!tpu.dma_semaphore, #tpu.memory_space<semaphore_mem>>)
        %dma_wait3A = arith.constant 9984 : i32
        %dma_wait3A_40 = arith.constant 0 : i32
        %dma_wait3A_41 = tpu.memref_slice %arg6[%arg0, %dma_wait3A, %dma_wait3A_40] : memref<2x10000x128xf32, #tpu.memory_space<hbm>> -> memref<1x16x128xf32, #tpu.memory_space<hbm>>
        %dma_wait3A_42 = tpu.memref_squeeze %dma_wait3A_41 : memref<1x16x128xf32, #tpu.memory_space<hbm>> -> memref<16x128xf32, #tpu.memory_space<hbm>>
        %dma_wait3A_43 = arith.constant 9984 : i32
        %dma_wait3A_44 = arith.constant 0 : i32
        %dma_wait3A_45 = tpu.memref_slice %arg12[%dma_wait3A_43, %dma_wait3A_44] : memref<10000x128xf32, #tpu.memory_space<vmem_shared>> -> memref<16x128xf32, #tpu.memory_space<vmem_shared>>
        tpu.wait_dma2 semaphore(%run_scoped3A : memref<!tpu.dma_semaphore, #tpu.memory_space<semaphore_mem>>) src(%dma_wait3A_45 : memref<16x128xf32, #tpu.memory_space<vmem_shared>>) dst(%dma_wait3A_42 : memref<16x128xf32, #tpu.memory_space<hbm>>)
        tpu.yield
      }) : () -> ()
    } else {
    }
    return
  }
}

module attributes {stable_mosaic.version = 14 : i64} {
  func.func @_ea_embed_body(%arg0: i32, %arg1: memref<8000x4xf32, #tpu.memory_space<vmem>>, %arg2: memref<4x64xf32, #tpu.memory_space<vmem>>, %arg3: memref<1x64xf32, #tpu.memory_space<vmem>>, %arg4: memref<8000x64xf32, #tpu.memory_space<vmem>>, %arg5: memref<3x64xf32, #tpu.memory_space<vmem>>, %arg6: memref<5x64xf32, #tpu.memory_space<vmem>>) attributes {dimension_semantics = [#tpu.dimension_semantics<arbitrary>], iteration_bounds = array<i64: 40>, scalar_prefetch = 0 : i64, scratch_operands = 1 : i64, tpu.core_type = #tpu.core_type<tc>, window_params = [{transform_indices = @transform_0, window_bounds = array<i64: 8000, 4>}, {pipeline_mode = #tpu.pipeline_mode<synchronous>, transform_indices = @transform_1, window_bounds = array<i64: 4, 64>}, {pipeline_mode = #tpu.pipeline_mode<synchronous>, transform_indices = @transform_2, window_bounds = array<i64: 1, 64>}, {transform_indices = @transform_3, window_bounds = array<i64: 8000, 64>}, {pipeline_mode = #tpu.pipeline_mode<synchronous>, transform_indices = @transform_4, window_bounds = array<i64: 3, 64>}]} {
    %get3A = arith.constant 0 : index
    %get3A_0 = arith.constant 0 : index
    %get3A_1 = vector.load %arg1[%get3A, %get3A_0] : memref<8000x4xf32, #tpu.memory_space<vmem>>, vector<8000x4xf32>
    %add3A = arith.constant 1.000000e+00 : f32
    %add3A_2 = vector.broadcast %add3A : f32 to vector<8000x4xf32>
    %add3A_3 = arith.addf %get3A_1, %add3A_2 : vector<8000x4xf32>
    %get3A_4 = arith.constant 0 : index
    %get3A_5 = arith.constant 0 : index
    %get3A_6 = vector.load %arg2[%get3A_4, %get3A_5] : memref<4x64xf32, #tpu.memory_space<vmem>>, vector<4x64xf32>
    %dot_general3A = arith.constant dense<0.000000e+00> : vector<8000x64xf32>
    %dot_general3A_7 = tpu.matmul %add3A_3, %get3A_6, %dot_general3A {dimension_numbers = #tpu.dot_dimension_numbers<[1], [0], [0], [1], [0, 0, 1, 1], [], []>, transpose_lhs_hint = false} : vector<8000x4xf32>, vector<4x64xf32>, vector<8000x64xf32> -> vector<8000x64xf32>
    %get3A_8 = arith.constant 0 : index
    %get3A_9 = arith.constant 0 : index
    %get3A_10 = vector.load %arg3[%get3A_8, %get3A_9] : memref<1x64xf32, #tpu.memory_space<vmem>>, vector<1x64xf32>
    %add3A_11 = vector.broadcast %get3A_10 : vector<1x64xf32> to vector<8000x64xf32>
    %add3A_12 = arith.addf %dot_general3A_7, %add3A_11 : vector<8000x64xf32>
    %swap3A = arith.constant 0 : index
    %swap3A_13 = arith.constant 0 : index
    %swap3A_14 = vector.load %arg4[%swap3A, %swap3A_13] : memref<8000x64xf32, #tpu.memory_space<vmem>>, vector<8000x64xf32>
    tpu.vector_store %arg4[%swap3A, %swap3A_13], %add3A_12 {strides = array<i32>} : memref<8000x64xf32, #tpu.memory_space<vmem>>, vector<8000x64xf32>,
    %eq3A = arith.constant 0 : i32
    %eq3A_15 = arith.cmpi eq, %arg0, %eq3A : i32
    %convert_element_type3A = arith.extui %eq3A_15 : i1 to i32
    %cond3A = arith.constant 0 : i32
    %cond3A_16 = arith.cmpi ne, %convert_element_type3A, %cond3A : i32
    scf.if %cond3A_16 {
      %reduce_sum3A_47 = arith.constant dense<0.000000e+00> : vector<64xf32>
      %reduce_sum3A_48 = vector.multi_reduction <add>, %add3A_12, %reduce_sum3A_47 [0] : vector<8000x64xf32> to vector<64xf32>
      %broadcast_in_dim3A_49 = vector.shape_cast %reduce_sum3A_48 : vector<64xf32> to vector<1x64xf32>
      %div3A = arith.constant 8.000000e+03 : f32
      %div3A_50 = vector.broadcast %div3A : f32 to vector<1x64xf32>
      %div3A_51 = arith.divf %broadcast_in_dim3A_49, %div3A_50 : vector<1x64xf32>
      %swap3A_52 = arith.constant 2 : index
      %swap3A_53 = arith.constant 0 : index
      %swap3A_54 = vector.load %arg6[%swap3A_52, %swap3A_53] : memref<5x64xf32, #tpu.memory_space<vmem>>, vector<1x64xf32>
      tpu.vector_store %arg6[%swap3A_52, %swap3A_53], %div3A_51 {strides = array<i32>} : memref<5x64xf32, #tpu.memory_space<vmem>>, vector<1x64xf32>,
      %broadcast_in_dim3A_55 = arith.constant 0.000000e+00 : f32
      %broadcast_in_dim3A_56 = vector.broadcast %broadcast_in_dim3A_55 : f32 to vector<2x64xf32>
      %swap3A_57 = arith.constant 0 : index
      %swap3A_58 = arith.constant 0 : index
      %swap3A_59 = vector.load %arg6[%swap3A_57, %swap3A_58] : memref<5x64xf32, #tpu.memory_space<vmem>>, vector<2x64xf32>
      tpu.vector_store %arg6[%swap3A_57, %swap3A_58], %broadcast_in_dim3A_56 {strides = array<i32>} : memref<5x64xf32, #tpu.memory_space<vmem>>, vector<2x64xf32>,
      %broadcast_in_dim3A_60 = arith.constant 0.000000e+00 : f32
      %broadcast_in_dim3A_61 = vector.broadcast %broadcast_in_dim3A_60 : f32 to vector<2x64xf32>
      %swap3A_62 = arith.constant 3 : index
      %swap3A_63 = arith.constant 0 : index
      %swap3A_64 = vector.load %arg6[%swap3A_62, %swap3A_63] : memref<5x64xf32, #tpu.memory_space<vmem>>, vector<2x64xf32>
      tpu.vector_store %arg6[%swap3A_62, %swap3A_63], %broadcast_in_dim3A_61 {strides = array<i32>} : memref<5x64xf32, #tpu.memory_space<vmem>>, vector<2x64xf32>,
    } else {
    }
    %get3A_17 = arith.constant 2 : index
    %get3A_18 = arith.constant 0 : index
    %get3A_19 = vector.load %arg6[%get3A_17, %get3A_18] : memref<5x64xf32, #tpu.memory_space<vmem>>, vector<1x64xf32>
    %sub3A = vector.broadcast %get3A_19 : vector<1x64xf32> to vector<8000x64xf32>
    %sub3A_20 = arith.subf %add3A_12, %sub3A : vector<8000x64xf32>
    %reduce_sum3A = arith.constant dense<0.000000e+00> : vector<64xf32>
    %reduce_sum3A_21 = vector.multi_reduction <add>, %sub3A_20, %reduce_sum3A [0] : vector<8000x64xf32> to vector<64xf32>
    %broadcast_in_dim3A = vector.shape_cast %reduce_sum3A_21 : vector<64xf32> to vector<1x64xf32>
    %mul3A = arith.mulf %sub3A_20, %sub3A_20 : vector<8000x64xf32>
    %reduce_sum3A_22 = arith.constant dense<0.000000e+00> : vector<64xf32>
    %reduce_sum3A_23 = vector.multi_reduction <add>, %mul3A, %reduce_sum3A_22 [0] : vector<8000x64xf32> to vector<64xf32>
    %broadcast_in_dim3A_24 = vector.shape_cast %reduce_sum3A_23 : vector<64xf32> to vector<1x64xf32>
    %concatenate3A = tpu.concatenate %broadcast_in_dim3A, %broadcast_in_dim3A_24 in 0 : vector<1x64xf32>, vector<1x64xf32> -> vector<2x64xf32>
    %get3A_25 = arith.constant 0 : index
    %get3A_26 = arith.constant 0 : index
    %get3A_27 = vector.load %arg6[%get3A_25, %get3A_26] : memref<5x64xf32, #tpu.memory_space<vmem>>, vector<2x64xf32>
    %get3A_28 = arith.constant 3 : index
    %get3A_29 = arith.constant 0 : index
    %get3A_30 = vector.load %arg6[%get3A_28, %get3A_29] : memref<5x64xf32, #tpu.memory_space<vmem>>, vector<2x64xf32>
    %sub3A_31 = arith.subf %concatenate3A, %get3A_30 : vector<2x64xf32>
    %add3A_32 = arith.addf %get3A_27, %sub3A_31 : vector<2x64xf32>
    %sub3A_33 = arith.subf %add3A_32, %get3A_27 : vector<2x64xf32>
    %sub3A_34 = arith.subf %sub3A_33, %sub3A_31 : vector<2x64xf32>
    %swap3A_35 = arith.constant 3 : index
    %swap3A_36 = arith.constant 0 : index
    %swap3A_37 = vector.load %arg6[%swap3A_35, %swap3A_36] : memref<5x64xf32, #tpu.memory_space<vmem>>, vector<2x64xf32>
    tpu.vector_store %arg6[%swap3A_35, %swap3A_36], %sub3A_34 {strides = array<i32>} : memref<5x64xf32, #tpu.memory_space<vmem>>, vector<2x64xf32>,
    %swap3A_38 = arith.constant 0 : index
    %swap3A_39 = arith.constant 0 : index
    %swap3A_40 = vector.load %arg6[%swap3A_38, %swap3A_39] : memref<5x64xf32, #tpu.memory_space<vmem>>, vector<2x64xf32>
    tpu.vector_store %arg6[%swap3A_38, %swap3A_39], %add3A_32 {strides = array<i32>} : memref<5x64xf32, #tpu.memory_space<vmem>>, vector<2x64xf32>,
    %get3A_41 = arith.constant 0 : index
    %get3A_42 = arith.constant 0 : index
    %get3A_43 = vector.load %arg6[%get3A_41, %get3A_42] : memref<5x64xf32, #tpu.memory_space<vmem>>, vector<3x64xf32>
    %swap3A_44 = arith.constant 0 : index
    %swap3A_45 = arith.constant 0 : index
    %swap3A_46 = vector.load %arg5[%swap3A_44, %swap3A_45] : memref<3x64xf32, #tpu.memory_space<vmem>>, vector<3x64xf32>
    tpu.vector_store %arg5[%swap3A_44, %swap3A_45], %get3A_43 {strides = array<i32>} : memref<3x64xf32, #tpu.memory_space<vmem>>, vector<3x64xf32>,
    return
  }
  func.func @transform_0(%arg0: i32) -> (i32, i32) {
    %c0_i32 = arith.constant 0 : i32
    %c0_i32_0 = arith.constant 0 : i32
    return %arg0, %c0_i32 : i32, i32
  }
  func.func @transform_1(%arg0: i32) -> (i32, i32) {
    %c0_i32 = arith.constant 0 : i32
    %c0_i32_0 = arith.constant 0 : i32
    %c0_i32_1 = arith.constant 0 : i32
    return %c0_i32, %c0_i32_0 : i32, i32
  }
  func.func @transform_2(%arg0: i32) -> (i32, i32) {
    %c0_i32 = arith.constant 0 : i32
    %c0_i32_0 = arith.constant 0 : i32
    %c0_i32_1 = arith.constant 0 : i32
    return %c0_i32, %c0_i32_0 : i32, i32
  }
  func.func @transform_3(%arg0: i32) -> (i32, i32) {
    %c0_i32 = arith.constant 0 : i32
    %c0_i32_0 = arith.constant 0 : i32
    return %arg0, %c0_i32 : i32, i32
  }
  func.func @transform_4(%arg0: i32) -> (i32, i32) {
    %c0_i32 = arith.constant 0 : i32
    %c0_i32_0 = arith.constant 0 : i32
    %c0_i32_1 = arith.constant 0 : i32
    return %c0_i32, %c0_i32_0 : i32, i32
  }
}

module attributes {stable_mosaic.version = 14 : i64} {
  func.func @_ea_norm_body(%arg0: i32, %arg1: memref<8000x64xf32, #tpu.memory_space<vmem>>, %arg2: memref<3x64xf32, #tpu.memory_space<vmem>>, %arg3: memref<1x64xf32, #tpu.memory_space<vmem>>, %arg4: memref<1x64xf32, #tpu.memory_space<vmem>>, %arg5: memref<8000x64xf32, #tpu.memory_space<vmem>>) attributes {dimension_semantics = [#tpu.dimension_semantics<arbitrary>], iteration_bounds = array<i64: 40>, scalar_prefetch = 0 : i64, scratch_operands = 0 : i64, tpu.core_type = #tpu.core_type<tc>, window_params = [{transform_indices = @transform_0, window_bounds = array<i64: 8000, 64>}, {pipeline_mode = #tpu.pipeline_mode<synchronous>, transform_indices = @transform_1, window_bounds = array<i64: 3, 64>}, {pipeline_mode = #tpu.pipeline_mode<synchronous>, transform_indices = @transform_2, window_bounds = array<i64: 1, 64>}, {pipeline_mode = #tpu.pipeline_mode<synchronous>, transform_indices = @transform_3, window_bounds = array<i64: 1, 64>}, {transform_indices = @transform_4, window_bounds = array<i64: 8000, 64>}]} {
    %get3A = arith.constant 0 : index
    %get3A_0 = arith.constant 0 : index
    %get3A_1 = vector.load %arg2[%get3A, %get3A_0] : memref<3x64xf32, #tpu.memory_space<vmem>>, vector<3x64xf32>
    %slice3A = vector.extract_strided_slice %get3A_1 {offsets = [2, 0], sizes = [1, 64], strides = [1, 1]} : vector<3x64xf32> to vector<1x64xf32>
    %slice3A_2 = vector.extract_strided_slice %get3A_1 {offsets = [0, 0], sizes = [1, 64], strides = [1, 1]} : vector<3x64xf32> to vector<1x64xf32>
    %div3A = arith.constant 3.200000e+05 : f32
    %div3A_3 = vector.broadcast %div3A : f32 to vector<1x64xf32>
    %div3A_4 = arith.divf %slice3A_2, %div3A_3 : vector<1x64xf32>
    %add3A = arith.addf %slice3A, %div3A_4 : vector<1x64xf32>
    %slice3A_5 = vector.extract_strided_slice %get3A_1 {offsets = [1, 0], sizes = [1, 64], strides = [1, 1]} : vector<3x64xf32> to vector<1x64xf32>
    %div3A_6 = arith.constant 3.200000e+05 : f32
    %div3A_7 = vector.broadcast %div3A_6 : f32 to vector<1x64xf32>
    %div3A_8 = arith.divf %slice3A_5, %div3A_7 : vector<1x64xf32>
    %mul3A = arith.mulf %div3A_4, %div3A_4 : vector<1x64xf32>
    %sub3A = arith.subf %div3A_8, %mul3A : vector<1x64xf32>
    %add3A_9 = arith.constant 9.99999974E-6 : f32
    %add3A_10 = vector.broadcast %add3A_9 : f32 to vector<1x64xf32>
    %add3A_11 = arith.addf %sub3A, %add3A_10 : vector<1x64xf32>
    %rsqrt3A = math.rsqrt %add3A_11 : vector<1x64xf32>
    %get3A_12 = arith.constant 0 : index
    %get3A_13 = arith.constant 0 : index
    %get3A_14 = vector.load %arg1[%get3A_12, %get3A_13] : memref<8000x64xf32, #tpu.memory_space<vmem>>, vector<8000x64xf32>
    %sub3A_15 = vector.broadcast %add3A : vector<1x64xf32> to vector<8000x64xf32>
    %sub3A_16 = arith.subf %get3A_14, %sub3A_15 : vector<8000x64xf32>
    %mul3A_17 = vector.broadcast %rsqrt3A : vector<1x64xf32> to vector<8000x64xf32>
    %mul3A_18 = arith.mulf %sub3A_16, %mul3A_17 : vector<8000x64xf32>
    %get3A_19 = arith.constant 0 : index
    %get3A_20 = arith.constant 0 : index
    %get3A_21 = vector.load %arg3[%get3A_19, %get3A_20] : memref<1x64xf32, #tpu.memory_space<vmem>>, vector<1x64xf32>
    %mul3A_22 = vector.broadcast %get3A_21 : vector<1x64xf32> to vector<8000x64xf32>
    %mul3A_23 = arith.mulf %mul3A_18, %mul3A_22 : vector<8000x64xf32>
    %get3A_24 = arith.constant 0 : index
    %get3A_25 = arith.constant 0 : index
    %get3A_26 = vector.load %arg4[%get3A_24, %get3A_25] : memref<1x64xf32, #tpu.memory_space<vmem>>, vector<1x64xf32>
    %add3A_27 = vector.broadcast %get3A_26 : vector<1x64xf32> to vector<8000x64xf32>
    %add3A_28 = arith.addf %mul3A_23, %add3A_27 : vector<8000x64xf32>
    %swap3A = arith.constant 0 : index
    %swap3A_29 = arith.constant 0 : index
    %swap3A_30 = vector.load %arg5[%swap3A, %swap3A_29] : memref<8000x64xf32, #tpu.memory_space<vmem>>, vector<8000x64xf32>
    tpu.vector_store %arg5[%swap3A, %swap3A_29], %add3A_28 {strides = array<i32>} : memref<8000x64xf32, #tpu.memory_space<vmem>>, vector<8000x64xf32>,
    return
  }
  func.func @transform_0(%arg0: i32) -> (i32, i32) {
    %c0_i32 = arith.constant 0 : i32
    %c0_i32_0 = arith.constant 0 : i32
    return %arg0, %c0_i32 : i32, i32
  }
  func.func @transform_1(%arg0: i32) -> (i32, i32) {
    %c0_i32 = arith.constant 0 : i32
    %c0_i32_0 = arith.constant 0 : i32
    %c0_i32_1 = arith.constant 0 : i32
    return %c0_i32, %c0_i32_0 : i32, i32
  }
  func.func @transform_2(%arg0: i32) -> (i32, i32) {
    %c0_i32 = arith.constant 0 : i32
    %c0_i32_0 = arith.constant 0 : i32
    %c0_i32_1 = arith.constant 0 : i32
    return %c0_i32, %c0_i32_0 : i32, i32
  }
  func.func @transform_3(%arg0: i32) -> (i32, i32) {
    %c0_i32 = arith.constant 0 : i32
    %c0_i32_0 = arith.constant 0 : i32
    %c0_i32_1 = arith.constant 0 : i32
    return %c0_i32, %c0_i32_0 : i32, i32
  }
  func.func @transform_4(%arg0: i32) -> (i32, i32) {
    %c0_i32 = arith.constant 0 : i32
    %c0_i32_0 = arith.constant 0 : i32
    return %arg0, %c0_i32 : i32, i32
  }
}

module attributes {stable_mosaic.version = 14 : i64} {
  func.func @_prep_body(%arg0: memref<10000x128xf32, #tpu.memory_space<vmem>>, %arg1: memref<128x64xf32, #tpu.memory_space<vmem>>, %arg2: memref<1x64xf32, #tpu.memory_space<vmem>>, %arg3: memref<1x64xf32, #tpu.memory_space<vmem>>, %arg4: memref<1x64xf32, #tpu.memory_space<vmem>>, %arg5: memref<10000x128xf32, #tpu.memory_space<vmem>>) attributes {dimension_semantics = [], scalar_prefetch = 0 : i64, scratch_operands = 0 : i64, tpu.core_type = #tpu.core_type<tc>} {
    %get3A = arith.constant 0 : index
    %get3A_0 = arith.constant 0 : index
    %get3A_1 = vector.load %arg0[%get3A, %get3A_0] : memref<10000x128xf32, #tpu.memory_space<vmem>>, vector<10000x128xf32>
    %get3A_2 = arith.constant 0 : index
    %get3A_3 = arith.constant 0 : index
    %get3A_4 = vector.load %arg1[%get3A_2, %get3A_3] : memref<128x64xf32, #tpu.memory_space<vmem>>, vector<128x64xf32>
    %dot_general3A = arith.constant dense<0.000000e+00> : vector<10000x64xf32>
    %dot_general3A_5 = tpu.matmul %get3A_1, %get3A_4, %dot_general3A {dimension_numbers = #tpu.dot_dimension_numbers<[1], [0], [0], [1], [0, 0, 1, 1], [], []>, transpose_lhs_hint = false} : vector<10000x128xf32>, vector<128x64xf32>, vector<10000x64xf32> -> vector<10000x64xf32>
    %get3A_6 = arith.constant 0 : index
    %get3A_7 = arith.constant 0 : index
    %get3A_8 = vector.load %arg2[%get3A_6, %get3A_7] : memref<1x64xf32, #tpu.memory_space<vmem>>, vector<1x64xf32>
    %add3A = vector.broadcast %get3A_8 : vector<1x64xf32> to vector<10000x64xf32>
    %add3A_9 = arith.addf %dot_general3A_5, %add3A : vector<10000x64xf32>
    %reduce_sum3A = arith.constant dense<0.000000e+00> : vector<64xf32>
    %reduce_sum3A_10 = vector.multi_reduction <add>, %add3A_9, %reduce_sum3A [0] : vector<10000x64xf32> to vector<64xf32>
    %broadcast_in_dim3A = vector.shape_cast %reduce_sum3A_10 : vector<64xf32> to vector<1x64xf32>
    %div3A = arith.constant 1.000000e+04 : f32
    %div3A_11 = vector.broadcast %div3A : f32 to vector<1x64xf32>
    %div3A_12 = arith.divf %broadcast_in_dim3A, %div3A_11 : vector<1x64xf32>
    %sub3A = vector.broadcast %div3A_12 : vector<1x64xf32> to vector<10000x64xf32>
    %sub3A_13 = arith.subf %add3A_9, %sub3A : vector<10000x64xf32>
    %integer_pow3A = arith.mulf %sub3A_13, %sub3A_13 : vector<10000x64xf32>
    %reduce_sum3A_14 = arith.constant dense<0.000000e+00> : vector<64xf32>
    %reduce_sum3A_15 = vector.multi_reduction <add>, %integer_pow3A, %reduce_sum3A_14 [0] : vector<10000x64xf32> to vector<64xf32>
    %broadcast_in_dim3A_16 = vector.shape_cast %reduce_sum3A_15 : vector<64xf32> to vector<1x64xf32>
    %div3A_17 = arith.constant 1.000000e+04 : f32
    %div3A_18 = vector.broadcast %div3A_17 : f32 to vector<1x64xf32>
    %div3A_19 = arith.divf %broadcast_in_dim3A_16, %div3A_18 : vector<1x64xf32>
    %sub3A_20 = vector.broadcast %div3A_12 : vector<1x64xf32> to vector<10000x64xf32>
    %sub3A_21 = arith.subf %add3A_9, %sub3A_20 : vector<10000x64xf32>
    %add3A_22 = arith.constant 9.99999974E-6 : f32
    %add3A_23 = vector.broadcast %add3A_22 : f32 to vector<1x64xf32>
    %add3A_24 = arith.addf %div3A_19, %add3A_23 : vector<1x64xf32>
    %rsqrt3A = math.rsqrt %add3A_24 : vector<1x64xf32>
    %mul3A = vector.broadcast %rsqrt3A : vector<1x64xf32> to vector<10000x64xf32>
    %mul3A_25 = arith.mulf %sub3A_21, %mul3A : vector<10000x64xf32>
    %get3A_26 = arith.constant 0 : index
    %get3A_27 = arith.constant 0 : index
    %get3A_28 = vector.load %arg3[%get3A_26, %get3A_27] : memref<1x64xf32, #tpu.memory_space<vmem>>, vector<1x64xf32>
    %mul3A_29 = vector.broadcast %get3A_28 : vector<1x64xf32> to vector<10000x64xf32>
    %mul3A_30 = arith.mulf %mul3A_25, %mul3A_29 : vector<10000x64xf32>
    %get3A_31 = arith.constant 0 : index
    %get3A_32 = arith.constant 0 : index
    %get3A_33 = vector.load %arg4[%get3A_31, %get3A_32] : memref<1x64xf32, #tpu.memory_space<vmem>>, vector<1x64xf32>
    %add3A_34 = vector.broadcast %get3A_33 : vector<1x64xf32> to vector<10000x64xf32>
    %add3A_35 = arith.addf %mul3A_30, %add3A_34 : vector<10000x64xf32>
    %concatenate3A = tpu.concatenate %add3A_35, %add3A_35 in 1 : vector<10000x64xf32>, vector<10000x64xf32> -> vector<10000x128xf32>
    %swap3A = arith.constant 0 : index
    %swap3A_36 = arith.constant 0 : index
    %swap3A_37 = vector.load %arg5[%swap3A, %swap3A_36] : memref<10000x128xf32, #tpu.memory_space<vmem>>, vector<10000x128xf32>
    tpu.vector_store %arg5[%swap3A, %swap3A_36], %concatenate3A {strides = array<i32>} : memref<10000x128xf32, #tpu.memory_space<vmem>>, vector<10000x128xf32>,
    return
  }
}

module attributes {stable_mosaic.version = 14 : i64} {
  func.func @_mlp_body(%arg0: memref<10000x128xf32, #tpu.memory_space<vmem>>, %arg1: memref<2x10000x128xf32, #tpu.memory_space<vmem>>, %arg2: memref<1x1xf32, #tpu.memory_space<vmem>>, %arg3: memref<64x64xf32, #tpu.memory_space<vmem>>, %arg4: memref<1x64xf32, #tpu.memory_space<vmem>>, %arg5: memref<64x64xf32, #tpu.memory_space<vmem>>, %arg6: memref<1x64xf32, #tpu.memory_space<vmem>>, %arg7: memref<1x1xf32, #tpu.memory_space<vmem>>, %arg8: memref<64x64xf32, #tpu.memory_space<vmem>>, %arg9: memref<1x64xf32, #tpu.memory_space<vmem>>, %arg10: memref<64x64xf32, #tpu.memory_space<vmem>>, %arg11: memref<1x64xf32, #tpu.memory_space<vmem>>, %arg12: memref<10000x128xf32, #tpu.memory_space<vmem>>) attributes {dimension_semantics = [], scalar_prefetch = 0 : i64, scratch_operands = 0 : i64, tpu.core_type = #tpu.core_type<tc>} {
    %get3A = arith.constant 0 : index
    %get3A_0 = arith.constant 0 : index
    %get3A_1 = vector.load %arg0[%get3A, %get3A_0] : memref<10000x128xf32, #tpu.memory_space<vmem>>, vector<10000x64xf32>
    %get3A_2 = arith.constant 0 : index
    %get3A_3 = arith.constant 64 : index
    %get3A_4 = vector.load %arg0[%get3A_2, %get3A_3] : memref<10000x128xf32, #tpu.memory_space<vmem>>, vector<10000x64xf32>
    %get3A_5 = arith.constant 0 : index
    %get3A_6 = arith.constant 0 : index
    %get3A_7 = arith.constant 0 : index
    %get3A_8 = vector.load %arg1[%get3A_5, %get3A_6, %get3A_7] : memref<2x10000x128xf32, #tpu.memory_space<vmem>>, vector<1x10000x64xf32>
    %get3A_9 = vector.shape_cast %get3A_8 : vector<1x10000x64xf32> to vector<10000x64xf32>
    %get3A_10 = arith.constant 1 : index
    %get3A_11 = arith.constant 0 : index
    %get3A_12 = arith.constant 0 : index
    %get3A_13 = vector.load %arg1[%get3A_10, %get3A_11, %get3A_12] : memref<2x10000x128xf32, #tpu.memory_space<vmem>>, vector<1x10000x64xf32>
    %get3A_14 = vector.shape_cast %get3A_13 : vector<1x10000x64xf32> to vector<10000x64xf32>
    %add3A = arith.addf %get3A_9, %get3A_14 : vector<10000x64xf32>
    %get3A_15 = arith.constant 0 : index
    %get3A_16 = arith.constant 0 : index
    %get3A_17 = arith.constant 64 : index
    %get3A_18 = vector.load %arg1[%get3A_15, %get3A_16, %get3A_17] : memref<2x10000x128xf32, #tpu.memory_space<vmem>>, vector<1x10000x64xf32>
    %get3A_19 = vector.shape_cast %get3A_18 : vector<1x10000x64xf32> to vector<10000x64xf32>
    %get3A_20 = arith.constant 1 : index
    %get3A_21 = arith.constant 0 : index
    %get3A_22 = arith.constant 64 : index
    %get3A_23 = vector.load %arg1[%get3A_20, %get3A_21, %get3A_22] : memref<2x10000x128xf32, #tpu.memory_space<vmem>>, vector<1x10000x64xf32>
    %get3A_24 = vector.shape_cast %get3A_23 : vector<1x10000x64xf32> to vector<10000x64xf32>
    %add3A_25 = arith.addf %get3A_19, %get3A_24 : vector<10000x64xf32>
    %get3A_26 = arith.constant 0 : index
    %get3A_27 = arith.constant 0 : index
    %get3A_28 = vector.load %arg2[%get3A_26, %get3A_27] : memref<1x1xf32, #tpu.memory_space<vmem>>, vector<1x1xf32>
    %get3A_29 = arith.constant 0 : index
    %get3A_30 = arith.constant 0 : index
    %get3A_31 = vector.load %arg3[%get3A_29, %get3A_30] : memref<64x64xf32, #tpu.memory_space<vmem>>, vector<64x64xf32>
    %get3A_32 = arith.constant 0 : index
    %get3A_33 = arith.constant 0 : index
    %get3A_34 = vector.load %arg4[%get3A_32, %get3A_33] : memref<1x64xf32, #tpu.memory_space<vmem>>, vector<1x64xf32>
    %get3A_35 = arith.constant 0 : index
    %get3A_36 = arith.constant 0 : index
    %get3A_37 = vector.load %arg5[%get3A_35, %get3A_36] : memref<64x64xf32, #tpu.memory_space<vmem>>, vector<64x64xf32>
    %get3A_38 = arith.constant 0 : index
    %get3A_39 = arith.constant 0 : index
    %get3A_40 = vector.load %arg6[%get3A_38, %get3A_39] : memref<1x64xf32, #tpu.memory_space<vmem>>, vector<1x64xf32>
    %add3A_41 = arith.constant 1.000000e+00 : f32
    %add3A_42 = vector.broadcast %add3A_41 : f32 to vector<1x1xf32>
    %add3A_43 = arith.addf %add3A_42, %get3A_28 : vector<1x1xf32>
    %mul3A = vector.broadcast %add3A_43 : vector<1x1xf32> to vector<10000x64xf32>
    %mul3A_44 = arith.mulf %mul3A, %get3A_1 : vector<10000x64xf32>
    %add3A_45 = arith.addf %mul3A_44, %add3A : vector<10000x64xf32>
    %dot_general3A = arith.constant dense<0.000000e+00> : vector<10000x64xf32>
    %dot_general3A_46 = tpu.matmul %add3A_45, %get3A_31, %dot_general3A {dimension_numbers = #tpu.dot_dimension_numbers<[1], [0], [0], [1], [0, 0, 1, 1], [], []>, transpose_lhs_hint = false} : vector<10000x64xf32>, vector<64x64xf32>, vector<10000x64xf32> -> vector<10000x64xf32>
    %add3A_47 = vector.broadcast %get3A_34 : vector<1x64xf32> to vector<10000x64xf32>
    %add3A_48 = arith.addf %dot_general3A_46, %add3A_47 : vector<10000x64xf32>
    %max3A = arith.constant 0.000000e+00 : f32
    %max3A_49 = vector.broadcast %max3A : f32 to vector<10000x64xf32>
    %max3A_50 = arith.maximumf %add3A_48, %max3A_49 : vector<10000x64xf32>
    %dot_general3A_51 = arith.constant dense<0.000000e+00> : vector<10000x64xf32>
    %dot_general3A_52 = tpu.matmul %max3A_50, %get3A_37, %dot_general3A_51 {dimension_numbers = #tpu.dot_dimension_numbers<[1], [0], [0], [1], [0, 0, 1, 1], [], []>, transpose_lhs_hint = false} : vector<10000x64xf32>, vector<64x64xf32>, vector<10000x64xf32> -> vector<10000x64xf32>
    %add3A_53 = vector.broadcast %get3A_40 : vector<1x64xf32> to vector<10000x64xf32>
    %add3A_54 = arith.addf %dot_general3A_52, %add3A_53 : vector<10000x64xf32>
    %max3A_55 = arith.constant 0.000000e+00 : f32
    %max3A_56 = vector.broadcast %max3A_55 : f32 to vector<10000x64xf32>
    %max3A_57 = arith.maximumf %add3A_54, %max3A_56 : vector<10000x64xf32>
    %get3A_58 = arith.constant 0 : index
    %get3A_59 = arith.constant 0 : index
    %get3A_60 = vector.load %arg7[%get3A_58, %get3A_59] : memref<1x1xf32, #tpu.memory_space<vmem>>, vector<1x1xf32>
    %get3A_61 = arith.constant 0 : index
    %get3A_62 = arith.constant 0 : index
    %get3A_63 = vector.load %arg8[%get3A_61, %get3A_62] : memref<64x64xf32, #tpu.memory_space<vmem>>, vector<64x64xf32>
    %get3A_64 = arith.constant 0 : index
    %get3A_65 = arith.constant 0 : index
    %get3A_66 = vector.load %arg9[%get3A_64, %get3A_65] : memref<1x64xf32, #tpu.memory_space<vmem>>, vector<1x64xf32>
    %get3A_67 = arith.constant 0 : index
    %get3A_68 = arith.constant 0 : index
    %get3A_69 = vector.load %arg10[%get3A_67, %get3A_68] : memref<64x64xf32, #tpu.memory_space<vmem>>, vector<64x64xf32>
    %get3A_70 = arith.constant 0 : index
    %get3A_71 = arith.constant 0 : index
    %get3A_72 = vector.load %arg11[%get3A_70, %get3A_71] : memref<1x64xf32, #tpu.memory_space<vmem>>, vector<1x64xf32>
    %add3A_73 = arith.constant 1.000000e+00 : f32
    %add3A_74 = vector.broadcast %add3A_73 : f32 to vector<1x1xf32>
    %add3A_75 = arith.addf %add3A_74, %get3A_60 : vector<1x1xf32>
    %mul3A_76 = vector.broadcast %add3A_75 : vector<1x1xf32> to vector<10000x64xf32>
    %mul3A_77 = arith.mulf %mul3A_76, %get3A_4 : vector<10000x64xf32>
    %add3A_78 = arith.addf %mul3A_77, %add3A_25 : vector<10000x64xf32>
    %dot_general3A_79 = arith.constant dense<0.000000e+00> : vector<10000x64xf32>
    %dot_general3A_80 = tpu.matmul %add3A_78, %get3A_63, %dot_general3A_79 {dimension_numbers = #tpu.dot_dimension_numbers<[1], [0], [0], [1], [0, 0, 1, 1], [], []>, transpose_lhs_hint = false} : vector<10000x64xf32>, vector<64x64xf32>, vector<10000x64xf32> -> vector<10000x64xf32>
    %add3A_81 = vector.broadcast %get3A_66 : vector<1x64xf32> to vector<10000x64xf32>
    %add3A_82 = arith.addf %dot_general3A_80, %add3A_81 : vector<10000x64xf32>
    %max3A_83 = arith.constant 0.000000e+00 : f32
    %max3A_84 = vector.broadcast %max3A_83 : f32 to vector<10000x64xf32>
    %max3A_85 = arith.maximumf %add3A_82, %max3A_84 : vector<10000x64xf32>
    %dot_general3A_86 = arith.constant dense<0.000000e+00> : vector<10000x64xf32>
    %dot_general3A_87 = tpu.matmul %max3A_85, %get3A_69, %dot_general3A_86 {dimension_numbers = #tpu.dot_dimension_numbers<[1], [0], [0], [1], [0, 0, 1, 1], [], []>, transpose_lhs_hint = false} : vector<10000x64xf32>, vector<64x64xf32>, vector<10000x64xf32> -> vector<10000x64xf32>
    %add3A_88 = vector.broadcast %get3A_72 : vector<1x64xf32> to vector<10000x64xf32>
    %add3A_89 = arith.addf %dot_general3A_87, %add3A_88 : vector<10000x64xf32>
    %max3A_90 = arith.constant 0.000000e+00 : f32
    %max3A_91 = vector.broadcast %max3A_90 : f32 to vector<10000x64xf32>
    %max3A_92 = arith.maximumf %add3A_89, %max3A_91 : vector<10000x64xf32>
    %concatenate3A = tpu.concatenate %max3A_57, %max3A_92 in 1 : vector<10000x64xf32>, vector<10000x64xf32> -> vector<10000x128xf32>
    %swap3A = arith.constant 0 : index
    %swap3A_93 = arith.constant 0 : index
    %swap3A_94 = vector.load %arg12[%swap3A, %swap3A_93] : memref<10000x128xf32, #tpu.memory_space<vmem>>, vector<10000x128xf32>
    tpu.vector_store %arg12[%swap3A, %swap3A_93], %concatenate3A {strides = array<i32>} : memref<10000x128xf32, #tpu.memory_space<vmem>>, vector<10000x128xf32>,
    return
  }
}

module attributes {stable_mosaic.version = 14 : i64} {
  func.func @_head_body(%arg0: memref<10000x128xf32, #tpu.memory_space<vmem>>, %arg1: memref<10000x128xf32, #tpu.memory_space<vmem>>, %arg2: memref<10000x1xi32, #tpu.memory_space<vmem>>, %arg3: memref<1x128xf32, #tpu.memory_space<vmem>>, %arg4: memref<1x128xf32, #tpu.memory_space<vmem>>, %arg5: memref<128x64xf32, #tpu.memory_space<vmem>>, %arg6: memref<1x64xf32, #tpu.memory_space<vmem>>, %arg7: memref<1x128xf32, #tpu.memory_space<vmem>>, %arg8: memref<1x128xf32, #tpu.memory_space<vmem>>, %arg9: memref<128x64xf32, #tpu.memory_space<vmem>>, %arg10: memref<1x64xf32, #tpu.memory_space<vmem>>, %arg11: memref<128x64xf32, #tpu.memory_space<vmem>>, %arg12: memref<1x64xf32, #tpu.memory_space<vmem>>, %arg13: memref<64x1xf32, #tpu.memory_space<vmem>>, %arg14: memref<1x1xf32, #tpu.memory_space<vmem>>, %arg15: memref<1x64xf32, #tpu.memory_space<vmem>>, %arg16: memref<1x64xf32, #tpu.memory_space<vmem>>, %arg17: memref<64x64xf32, #tpu.memory_space<vmem>>, %arg18: memref<1x64xf32, #tpu.memory_space<vmem>>, %arg19: memref<1x64xf32, #tpu.memory_space<vmem>>, %arg20: memref<1x64xf32, #tpu.memory_space<vmem>>, %arg21: memref<64x16xf32, #tpu.memory_space<vmem>>, %arg22: memref<1x16xf32, #tpu.memory_space<vmem>>, %arg23: memref<128x16xf32, #tpu.memory_space<vmem>>, %arg24: memref<1x1xf32, #tpu.memory_space<vmem>>) attributes {dimension_semantics = [], scalar_prefetch = 0 : i64, scratch_operands = 0 : i64, tpu.core_type = #tpu.core_type<tc>} {
    %get3A = arith.constant 0 : index
    %get3A_0 = arith.constant 0 : index
    %get3A_1 = vector.load %arg0[%get3A, %get3A_0] : memref<10000x128xf32, #tpu.memory_space<vmem>>, vector<10000x64xf32>
    %get3A_2 = arith.constant 0 : index
    %get3A_3 = arith.constant 0 : index
    %get3A_4 = vector.load %arg1[%get3A_2, %get3A_3] : memref<10000x128xf32, #tpu.memory_space<vmem>>, vector<10000x64xf32>
    %concatenate3A = tpu.concatenate %get3A_1, %get3A_4 in 1 : vector<10000x64xf32>, vector<10000x64xf32> -> vector<10000x128xf32>
    %get3A_5 = arith.constant 0 : index
    %get3A_6 = arith.constant 64 : index
    %get3A_7 = vector.load %arg0[%get3A_5, %get3A_6] : memref<10000x128xf32, #tpu.memory_space<vmem>>, vector<10000x64xf32>
    %get3A_8 = arith.constant 0 : index
    %get3A_9 = arith.constant 64 : index
    %get3A_10 = vector.load %arg1[%get3A_8, %get3A_9] : memref<10000x128xf32, #tpu.memory_space<vmem>>, vector<10000x64xf32>
    %concatenate3A_11 = tpu.concatenate %get3A_7, %get3A_10 in 1 : vector<10000x64xf32>, vector<10000x64xf32> -> vector<10000x128xf32>
    %get3A_12 = arith.constant 0 : index
    %get3A_13 = arith.constant 0 : index
    %get3A_14 = vector.load %arg2[%get3A_12, %get3A_13] : memref<10000x1xi32, #tpu.memory_space<vmem>>, vector<10000x1xi32>
    %iota3A = tpu.iota {dimensions = array<i32: 1>} : vector<10000x128xi32>
    %eq3A = vector.broadcast %get3A_14 : vector<10000x1xi32> to vector<10000x128xi32>
    %eq3A_15 = arith.cmpi eq, %eq3A, %iota3A : vector<10000x128xi32>
    %convert_element_type3A = arith.extui %eq3A_15 : vector<10000x128xi1> to vector<10000x128xi32>
    %convert_element_type3A_16 = arith.sitofp %convert_element_type3A : vector<10000x128xi32> to vector<10000x128xf32>
    %dot_general3A = arith.constant dense<0.000000e+00> : vector<128x128xf32>
    %dot_general3A_17 = tpu.matmul %convert_element_type3A_16, %concatenate3A_11, %dot_general3A {dimension_numbers = #tpu.dot_dimension_numbers<[0], [0], [1], [1], [0, 1, 1, 1], [], []>, precision = #tpu.contract_precision<fp32>, transpose_lhs_hint = false} : vector<10000x128xf32>, vector<10000x128xf32>, vector<128x128xf32> -> vector<128x128xf32>
    %get3A_18 = arith.constant 0 : index
    %get3A_19 = arith.constant 0 : index
    %get3A_20 = vector.load %arg3[%get3A_18, %get3A_19] : memref<1x128xf32, #tpu.memory_space<vmem>>, vector<1x128xf32>
    %get3A_21 = arith.constant 0 : index
    %get3A_22 = arith.constant 0 : index
    %get3A_23 = vector.load %arg4[%get3A_21, %get3A_22] : memref<1x128xf32, #tpu.memory_space<vmem>>, vector<1x128xf32>
    %reduce_sum3A = arith.constant dense<0.000000e+00> : vector<128xf32>
    %reduce_sum3A_24 = vector.multi_reduction <add>, %dot_general3A_17, %reduce_sum3A [0] : vector<128x128xf32> to vector<128xf32>
    %broadcast_in_dim3A = vector.shape_cast %reduce_sum3A_24 : vector<128xf32> to vector<1x128xf32>
    %div3A = arith.constant 1.280000e+02 : f32
    %div3A_25 = vector.broadcast %div3A : f32 to vector<1x128xf32>
    %div3A_26 = arith.divf %broadcast_in_dim3A, %div3A_25 : vector<1x128xf32>
    %sub3A = vector.broadcast %div3A_26 : vector<1x128xf32> to vector<128x128xf32>
    %sub3A_27 = arith.subf %dot_general3A_17, %sub3A : vector<128x128xf32>
    %integer_pow3A = arith.mulf %sub3A_27, %sub3A_27 : vector<128x128xf32>
    %reduce_sum3A_28 = arith.constant dense<0.000000e+00> : vector<128xf32>
    %reduce_sum3A_29 = vector.multi_reduction <add>, %integer_pow3A, %reduce_sum3A_28 [0] : vector<128x128xf32> to vector<128xf32>
    %broadcast_in_dim3A_30 = vector.shape_cast %reduce_sum3A_29 : vector<128xf32> to vector<1x128xf32>
    %div3A_31 = arith.constant 1.280000e+02 : f32
    %div3A_32 = vector.broadcast %div3A_31 : f32 to vector<1x128xf32>
    %div3A_33 = arith.divf %broadcast_in_dim3A_30, %div3A_32 : vector<1x128xf32>
    %sub3A_34 = vector.broadcast %div3A_26 : vector<1x128xf32> to vector<128x128xf32>
    %sub3A_35 = arith.subf %dot_general3A_17, %sub3A_34 : vector<128x128xf32>
    %add3A = arith.constant 9.99999974E-6 : f32
    %add3A_36 = vector.broadcast %add3A : f32 to vector<1x128xf32>
    %add3A_37 = arith.addf %div3A_33, %add3A_36 : vector<1x128xf32>
    %rsqrt3A = math.rsqrt %add3A_37 : vector<1x128xf32>
    %mul3A = vector.broadcast %rsqrt3A : vector<1x128xf32> to vector<128x128xf32>
    %mul3A_38 = arith.mulf %sub3A_35, %mul3A : vector<128x128xf32>
    %mul3A_39 = vector.broadcast %get3A_20 : vector<1x128xf32> to vector<128x128xf32>
    %mul3A_40 = arith.mulf %mul3A_38, %mul3A_39 : vector<128x128xf32>
    %add3A_41 = vector.broadcast %get3A_23 : vector<1x128xf32> to vector<128x128xf32>
    %add3A_42 = arith.addf %mul3A_40, %add3A_41 : vector<128x128xf32>
    %get3A_43 = arith.constant 0 : index
    %get3A_44 = arith.constant 0 : index
    %get3A_45 = vector.load %arg5[%get3A_43, %get3A_44] : memref<128x64xf32, #tpu.memory_space<vmem>>, vector<128x64xf32>
    %dot_general3A_46 = arith.constant dense<0.000000e+00> : vector<128x64xf32>
    %dot_general3A_47 = tpu.matmul %add3A_42, %get3A_45, %dot_general3A_46 {dimension_numbers = #tpu.dot_dimension_numbers<[1], [0], [0], [1], [0, 0, 1, 1], [], []>, transpose_lhs_hint = false} : vector<128x128xf32>, vector<128x64xf32>, vector<128x64xf32> -> vector<128x64xf32>
    %get3A_48 = arith.constant 0 : index
    %get3A_49 = arith.constant 0 : index
    %get3A_50 = vector.load %arg6[%get3A_48, %get3A_49] : memref<1x64xf32, #tpu.memory_space<vmem>>, vector<1x64xf32>
    %add3A_51 = vector.broadcast %get3A_50 : vector<1x64xf32> to vector<128x64xf32>
    %add3A_52 = arith.addf %dot_general3A_47, %add3A_51 : vector<128x64xf32>
    %max3A = arith.constant 0.000000e+00 : f32
    %max3A_53 = vector.broadcast %max3A : f32 to vector<128x64xf32>
    %max3A_54 = arith.maximumf %add3A_52, %max3A_53 : vector<128x64xf32>
    %dot_general3A_55 = arith.constant dense<0.000000e+00> : vector<128x128xf32>
    %dot_general3A_56 = tpu.matmul %convert_element_type3A_16, %concatenate3A, %dot_general3A_55 {dimension_numbers = #tpu.dot_dimension_numbers<[0], [0], [1], [1], [0, 1, 1, 1], [], []>, precision = #tpu.contract_precision<fp32>, transpose_lhs_hint = false} : vector<10000x128xf32>, vector<10000x128xf32>, vector<128x128xf32> -> vector<128x128xf32>
    %get3A_57 = arith.constant 0 : index
    %get3A_58 = arith.constant 0 : index
    %get3A_59 = vector.load %arg7[%get3A_57, %get3A_58] : memref<1x128xf32, #tpu.memory_space<vmem>>, vector<1x128xf32>
    %get3A_60 = arith.constant 0 : index
    %get3A_61 = arith.constant 0 : index
    %get3A_62 = vector.load %arg8[%get3A_60, %get3A_61] : memref<1x128xf32, #tpu.memory_space<vmem>>, vector<1x128xf32>
    %reduce_sum3A_63 = arith.constant dense<0.000000e+00> : vector<128xf32>
    %reduce_sum3A_64 = vector.multi_reduction <add>, %dot_general3A_56, %reduce_sum3A_63 [0] : vector<128x128xf32> to vector<128xf32>
    %broadcast_in_dim3A_65 = vector.shape_cast %reduce_sum3A_64 : vector<128xf32> to vector<1x128xf32>
    %div3A_66 = arith.constant 1.280000e+02 : f32
    %div3A_67 = vector.broadcast %div3A_66 : f32 to vector<1x128xf32>
    %div3A_68 = arith.divf %broadcast_in_dim3A_65, %div3A_67 : vector<1x128xf32>
    %sub3A_69 = vector.broadcast %div3A_68 : vector<1x128xf32> to vector<128x128xf32>
    %sub3A_70 = arith.subf %dot_general3A_56, %sub3A_69 : vector<128x128xf32>
    %integer_pow3A_71 = arith.mulf %sub3A_70, %sub3A_70 : vector<128x128xf32>
    %reduce_sum3A_72 = arith.constant dense<0.000000e+00> : vector<128xf32>
    %reduce_sum3A_73 = vector.multi_reduction <add>, %integer_pow3A_71, %reduce_sum3A_72 [0] : vector<128x128xf32> to vector<128xf32>
    %broadcast_in_dim3A_74 = vector.shape_cast %reduce_sum3A_73 : vector<128xf32> to vector<1x128xf32>
    %div3A_75 = arith.constant 1.280000e+02 : f32
    %div3A_76 = vector.broadcast %div3A_75 : f32 to vector<1x128xf32>
    %div3A_77 = arith.divf %broadcast_in_dim3A_74, %div3A_76 : vector<1x128xf32>
    %sub3A_78 = vector.broadcast %div3A_68 : vector<1x128xf32> to vector<128x128xf32>
    %sub3A_79 = arith.subf %dot_general3A_56, %sub3A_78 : vector<128x128xf32>
    %add3A_80 = arith.constant 9.99999974E-6 : f32
    %add3A_81 = vector.broadcast %add3A_80 : f32 to vector<1x128xf32>
    %add3A_82 = arith.addf %div3A_77, %add3A_81 : vector<1x128xf32>
    %rsqrt3A_83 = math.rsqrt %add3A_82 : vector<1x128xf32>
    %mul3A_84 = vector.broadcast %rsqrt3A_83 : vector<1x128xf32> to vector<128x128xf32>
    %mul3A_85 = arith.mulf %sub3A_79, %mul3A_84 : vector<128x128xf32>
    %mul3A_86 = vector.broadcast %get3A_59 : vector<1x128xf32> to vector<128x128xf32>
    %mul3A_87 = arith.mulf %mul3A_85, %mul3A_86 : vector<128x128xf32>
    %add3A_88 = vector.broadcast %get3A_62 : vector<1x128xf32> to vector<128x128xf32>
    %add3A_89 = arith.addf %mul3A_87, %add3A_88 : vector<128x128xf32>
    %get3A_90 = arith.constant 0 : index
    %get3A_91 = arith.constant 0 : index
    %get3A_92 = vector.load %arg9[%get3A_90, %get3A_91] : memref<128x64xf32, #tpu.memory_space<vmem>>, vector<128x64xf32>
    %dot_general3A_93 = arith.constant dense<0.000000e+00> : vector<128x64xf32>
    %dot_general3A_94 = tpu.matmul %add3A_89, %get3A_92, %dot_general3A_93 {dimension_numbers = #tpu.dot_dimension_numbers<[1], [0], [0], [1], [0, 0, 1, 1], [], []>, transpose_lhs_hint = false} : vector<128x128xf32>, vector<128x64xf32>, vector<128x64xf32> -> vector<128x64xf32>
    %get3A_95 = arith.constant 0 : index
    %get3A_96 = arith.constant 0 : index
    %get3A_97 = vector.load %arg10[%get3A_95, %get3A_96] : memref<1x64xf32, #tpu.memory_space<vmem>>, vector<1x64xf32>
    %add3A_98 = vector.broadcast %get3A_97 : vector<1x64xf32> to vector<128x64xf32>
    %add3A_99 = arith.addf %dot_general3A_94, %add3A_98 : vector<128x64xf32>
    %max3A_100 = arith.constant 0.000000e+00 : f32
    %max3A_101 = vector.broadcast %max3A_100 : f32 to vector<128x64xf32>
    %max3A_102 = arith.maximumf %add3A_99, %max3A_101 : vector<128x64xf32>
    %slice3A = vector.extract_strided_slice %max3A_54 {offsets = [127, 0], sizes = [1, 64], strides = [1, 1]} : vector<128x64xf32> to vector<1x64xf32>
    %slice3A_103 = vector.extract_strided_slice %max3A_54 {offsets = [0, 0], sizes = [127, 64], strides = [1, 1]} : vector<128x64xf32> to vector<127x64xf32>
    %concatenate3A_104 = tpu.concatenate %slice3A, %slice3A_103 in 0 : vector<1x64xf32>, vector<127x64xf32> -> vector<128x64xf32>
    %concatenate3A_105 = tpu.concatenate %max3A_102, %max3A_54 in 1 : vector<128x64xf32>, vector<128x64xf32> -> vector<128x128xf32>
    %concatenate3A_106 = tpu.concatenate %max3A_102, %concatenate3A_104 in 1 : vector<128x64xf32>, vector<128x64xf32> -> vector<128x128xf32>
    %get3A_107 = arith.constant 0 : index
    %get3A_108 = arith.constant 0 : index
    %get3A_109 = vector.load %arg11[%get3A_107, %get3A_108] : memref<128x64xf32, #tpu.memory_space<vmem>>, vector<128x64xf32>
    %dot_general3A_110 = arith.constant dense<0.000000e+00> : vector<128x64xf32>
    %dot_general3A_111 = tpu.matmul %concatenate3A_105, %get3A_109, %dot_general3A_110 {dimension_numbers = #tpu.dot_dimension_numbers<[1], [0], [0], [1], [0, 0, 1, 1], [], []>, transpose_lhs_hint = false} : vector<128x128xf32>, vector<128x64xf32>, vector<128x64xf32> -> vector<128x64xf32>
    %get3A_112 = arith.constant 0 : index
    %get3A_113 = arith.constant 0 : index
    %get3A_114 = vector.load %arg12[%get3A_112, %get3A_113] : memref<1x64xf32, #tpu.memory_space<vmem>>, vector<1x64xf32>
    %add3A_115 = vector.broadcast %get3A_114 : vector<1x64xf32> to vector<128x64xf32>
    %add3A_116 = arith.addf %dot_general3A_111, %add3A_115 : vector<128x64xf32>
    %max3A_117 = arith.constant 0.000000e+00 : f32
    %max3A_118 = vector.broadcast %max3A_117 : f32 to vector<128x64xf32>
    %max3A_119 = arith.maximumf %add3A_116, %max3A_118 : vector<128x64xf32>
    %get3A_120 = arith.constant 0 : index
    %get3A_121 = arith.constant 0 : index
    %get3A_122 = vector.load %arg13[%get3A_120, %get3A_121] : memref<64x1xf32, #tpu.memory_space<vmem>>, vector<64x1xf32>
    %dot_general3A_123 = arith.constant dense<0.000000e+00> : vector<128x1xf32>
    %dot_general3A_124 = tpu.matmul %max3A_119, %get3A_122, %dot_general3A_123 {dimension_numbers = #tpu.dot_dimension_numbers<[1], [0], [0], [1], [0, 0, 1, 1], [], []>, transpose_lhs_hint = false} : vector<128x64xf32>, vector<64x1xf32>, vector<128x1xf32> -> vector<128x1xf32>
    %get3A_125 = arith.constant 0 : index
    %get3A_126 = arith.constant 0 : index
    %get3A_127 = vector.load %arg14[%get3A_125, %get3A_126] : memref<1x1xf32, #tpu.memory_space<vmem>>, vector<1x1xf32>
    %add3A_128 = vector.broadcast %get3A_127 : vector<1x1xf32> to vector<128x1xf32>
    %add3A_129 = arith.addf %dot_general3A_124, %add3A_128 : vector<128x1xf32>
    %reduce_sum3A_130 = vector.shape_cast %add3A_129 : vector<128x1xf32> to vector<1x128x1xf32>
    %reduce_sum3A_131 = arith.constant dense<0.000000e+00> : vector<1xf32>
    %reduce_sum3A_132 = vector.multi_reduction <add>, %reduce_sum3A_130, %reduce_sum3A_131 [1, 2] : vector<1x128x1xf32> to vector<1xf32>
    %reduce_sum3A_133 = vector.shape_cast %reduce_sum3A_132 : vector<1xf32> to vector<1x1x1xf32>
    %reduce_sum3A_134 = vector.extract %reduce_sum3A_133[0, 0, 0] : f32 from vector<1x1x1xf32>
    %div3A_135 = arith.constant 1.280000e+02 : f32
    %div3A_136 = arith.divf %reduce_sum3A_134, %div3A_135 : f32
    %get3A_137 = arith.constant 0 : index
    %get3A_138 = arith.constant 0 : index
    %get3A_139 = vector.load %arg11[%get3A_137, %get3A_138] : memref<128x64xf32, #tpu.memory_space<vmem>>, vector<128x64xf32>
    %dot_general3A_140 = arith.constant dense<0.000000e+00> : vector<128x64xf32>
    %dot_general3A_141 = tpu.matmul %concatenate3A_106, %get3A_139, %dot_general3A_140 {dimension_numbers = #tpu.dot_dimension_numbers<[1], [0], [0], [1], [0, 0, 1, 1], [], []>, transpose_lhs_hint = false} : vector<128x128xf32>, vector<128x64xf32>, vector<128x64xf32> -> vector<128x64xf32>
    %get3A_142 = arith.constant 0 : index
    %get3A_143 = arith.constant 0 : index
    %get3A_144 = vector.load %arg12[%get3A_142, %get3A_143] : memref<1x64xf32, #tpu.memory_space<vmem>>, vector<1x64xf32>
    %add3A_145 = vector.broadcast %get3A_144 : vector<1x64xf32> to vector<128x64xf32>
    %add3A_146 = arith.addf %dot_general3A_141, %add3A_145 : vector<128x64xf32>
    %max3A_147 = arith.constant 0.000000e+00 : f32
    %max3A_148 = vector.broadcast %max3A_147 : f32 to vector<128x64xf32>
    %max3A_149 = arith.maximumf %add3A_146, %max3A_148 : vector<128x64xf32>
    %get3A_150 = arith.constant 0 : index
    %get3A_151 = arith.constant 0 : index
    %get3A_152 = vector.load %arg13[%get3A_150, %get3A_151] : memref<64x1xf32, #tpu.memory_space<vmem>>, vector<64x1xf32>
    %dot_general3A_153 = arith.constant dense<0.000000e+00> : vector<128x1xf32>
    %dot_general3A_154 = tpu.matmul %max3A_149, %get3A_152, %dot_general3A_153 {dimension_numbers = #tpu.dot_dimension_numbers<[1], [0], [0], [1], [0, 0, 1, 1], [], []>, transpose_lhs_hint = false} : vector<128x64xf32>, vector<64x1xf32>, vector<128x1xf32> -> vector<128x1xf32>
    %get3A_155 = arith.constant 0 : index
    %get3A_156 = arith.constant 0 : index
    %get3A_157 = vector.load %arg14[%get3A_155, %get3A_156] : memref<1x1xf32, #tpu.memory_space<vmem>>, vector<1x1xf32>
    %add3A_158 = vector.broadcast %get3A_157 : vector<1x1xf32> to vector<128x1xf32>
    %add3A_159 = arith.addf %dot_general3A_154, %add3A_158 : vector<128x1xf32>
    %exp3A = math.exp %add3A_159 : vector<128x1xf32>
    %reduce_sum3A_160 = vector.shape_cast %exp3A : vector<128x1xf32> to vector<1x128x1xf32>
    %reduce_sum3A_161 = arith.constant dense<0.000000e+00> : vector<1xf32>
    %reduce_sum3A_162 = vector.multi_reduction <add>, %reduce_sum3A_160, %reduce_sum3A_161 [1, 2] : vector<1x128x1xf32> to vector<1xf32>
    %reduce_sum3A_163 = vector.shape_cast %reduce_sum3A_162 : vector<1xf32> to vector<1x1x1xf32>
    %reduce_sum3A_164 = vector.extract %reduce_sum3A_163[0, 0, 0] : f32 from vector<1x1x1xf32>
    %div3A_165 = arith.constant 1.280000e+02 : f32
    %div3A_166 = arith.divf %reduce_sum3A_164, %div3A_165 : f32
    %add3A_167 = arith.constant 9.99999993E-9 : f32
    %add3A_168 = arith.addf %div3A_166, %add3A_167 : f32
    %log3A = math.log %add3A_168 : f32
    %sub3A_169 = arith.subf %div3A_136, %log3A : f32
    %reshape3A = vector.broadcast %sub3A_169 : f32 to vector<1x1xf32>
    %swap3A = arith.constant 0 : index
    %swap3A_170 = arith.constant 0 : index
    %swap3A_171 = vector.load %arg24[%swap3A, %swap3A_170] : memref<1x1xf32, #tpu.memory_space<vmem>>, vector<1x1xf32>
    tpu.vector_store %arg24[%swap3A, %swap3A_170], %reshape3A {strides = array<i32>} : memref<1x1xf32, #tpu.memory_space<vmem>>, vector<1x1xf32>,
    %add3A_172 = arith.addf %max3A_102, %max3A_54 : vector<128x64xf32>
    %get3A_173 = arith.constant 0 : index
    %get3A_174 = arith.constant 0 : index
    %get3A_175 = vector.load %arg15[%get3A_173, %get3A_174] : memref<1x64xf32, #tpu.memory_space<vmem>>, vector<1x64xf32>
    %get3A_176 = arith.constant 0 : index
    %get3A_177 = arith.constant 0 : index
    %get3A_178 = vector.load %arg16[%get3A_176, %get3A_177] : memref<1x64xf32, #tpu.memory_space<vmem>>, vector<1x64xf32>
    %reduce_sum3A_179 = arith.constant dense<0.000000e+00> : vector<64xf32>
    %reduce_sum3A_180 = vector.multi_reduction <add>, %add3A_172, %reduce_sum3A_179 [0] : vector<128x64xf32> to vector<64xf32>
    %broadcast_in_dim3A_181 = vector.shape_cast %reduce_sum3A_180 : vector<64xf32> to vector<1x64xf32>
    %div3A_182 = arith.constant 1.280000e+02 : f32
    %div3A_183 = vector.broadcast %div3A_182 : f32 to vector<1x64xf32>
    %div3A_184 = arith.divf %broadcast_in_dim3A_181, %div3A_183 : vector<1x64xf32>
    %sub3A_185 = vector.broadcast %div3A_184 : vector<1x64xf32> to vector<128x64xf32>
    %sub3A_186 = arith.subf %add3A_172, %sub3A_185 : vector<128x64xf32>
    %integer_pow3A_187 = arith.mulf %sub3A_186, %sub3A_186 : vector<128x64xf32>
    %reduce_sum3A_188 = arith.constant dense<0.000000e+00> : vector<64xf32>
    %reduce_sum3A_189 = vector.multi_reduction <add>, %integer_pow3A_187, %reduce_sum3A_188 [0] : vector<128x64xf32> to vector<64xf32>
    %broadcast_in_dim3A_190 = vector.shape_cast %reduce_sum3A_189 : vector<64xf32> to vector<1x64xf32>
    %div3A_191 = arith.constant 1.280000e+02 : f32
    %div3A_192 = vector.broadcast %div3A_191 : f32 to vector<1x64xf32>
    %div3A_193 = arith.divf %broadcast_in_dim3A_190, %div3A_192 : vector<1x64xf32>
    %sub3A_194 = vector.broadcast %div3A_184 : vector<1x64xf32> to vector<128x64xf32>
    %sub3A_195 = arith.subf %add3A_172, %sub3A_194 : vector<128x64xf32>
    %add3A_196 = arith.constant 9.99999974E-6 : f32
    %add3A_197 = vector.broadcast %add3A_196 : f32 to vector<1x64xf32>
    %add3A_198 = arith.addf %div3A_193, %add3A_197 : vector<1x64xf32>
    %rsqrt3A_199 = math.rsqrt %add3A_198 : vector<1x64xf32>
    %mul3A_200 = vector.broadcast %rsqrt3A_199 : vector<1x64xf32> to vector<128x64xf32>
    %mul3A_201 = arith.mulf %sub3A_195, %mul3A_200 : vector<128x64xf32>
    %mul3A_202 = vector.broadcast %get3A_175 : vector<1x64xf32> to vector<128x64xf32>
    %mul3A_203 = arith.mulf %mul3A_201, %mul3A_202 : vector<128x64xf32>
    %add3A_204 = vector.broadcast %get3A_178 : vector<1x64xf32> to vector<128x64xf32>
    %add3A_205 = arith.addf %mul3A_203, %add3A_204 : vector<128x64xf32>
    %get3A_206 = arith.constant 0 : index
    %get3A_207 = arith.constant 0 : index
    %get3A_208 = vector.load %arg17[%get3A_206, %get3A_207] : memref<64x64xf32, #tpu.memory_space<vmem>>, vector<64x64xf32>
    %dot_general3A_209 = arith.constant dense<0.000000e+00> : vector<128x64xf32>
    %dot_general3A_210 = tpu.matmul %add3A_205, %get3A_208, %dot_general3A_209 {dimension_numbers = #tpu.dot_dimension_numbers<[1], [0], [0], [1], [0, 0, 1, 1], [], []>, transpose_lhs_hint = false} : vector<128x64xf32>, vector<64x64xf32>, vector<128x64xf32> -> vector<128x64xf32>
    %get3A_211 = arith.constant 0 : index
    %get3A_212 = arith.constant 0 : index
    %get3A_213 = vector.load %arg18[%get3A_211, %get3A_212] : memref<1x64xf32, #tpu.memory_space<vmem>>, vector<1x64xf32>
    %add3A_214 = vector.broadcast %get3A_213 : vector<1x64xf32> to vector<128x64xf32>
    %add3A_215 = arith.addf %dot_general3A_210, %add3A_214 : vector<128x64xf32>
    %max3A_216 = arith.constant 0.000000e+00 : f32
    %max3A_217 = vector.broadcast %max3A_216 : f32 to vector<128x64xf32>
    %max3A_218 = arith.maximumf %add3A_215, %max3A_217 : vector<128x64xf32>
    %get3A_219 = arith.constant 0 : index
    %get3A_220 = arith.constant 0 : index
    %get3A_221 = vector.load %arg19[%get3A_219, %get3A_220] : memref<1x64xf32, #tpu.memory_space<vmem>>, vector<1x64xf32>
    %get3A_222 = arith.constant 0 : index
    %get3A_223 = arith.constant 0 : index
    %get3A_224 = vector.load %arg20[%get3A_222, %get3A_223] : memref<1x64xf32, #tpu.memory_space<vmem>>, vector<1x64xf32>
    %reduce_sum3A_225 = arith.constant dense<0.000000e+00> : vector<64xf32>
    %reduce_sum3A_226 = vector.multi_reduction <add>, %max3A_218, %reduce_sum3A_225 [0] : vector<128x64xf32> to vector<64xf32>
    %broadcast_in_dim3A_227 = vector.shape_cast %reduce_sum3A_226 : vector<64xf32> to vector<1x64xf32>
    %div3A_228 = arith.constant 1.280000e+02 : f32
    %div3A_229 = vector.broadcast %div3A_228 : f32 to vector<1x64xf32>
    %div3A_230 = arith.divf %broadcast_in_dim3A_227, %div3A_229 : vector<1x64xf32>
    %sub3A_231 = vector.broadcast %div3A_230 : vector<1x64xf32> to vector<128x64xf32>
    %sub3A_232 = arith.subf %max3A_218, %sub3A_231 : vector<128x64xf32>
    %integer_pow3A_233 = arith.mulf %sub3A_232, %sub3A_232 : vector<128x64xf32>
    %reduce_sum3A_234 = arith.constant dense<0.000000e+00> : vector<64xf32>
    %reduce_sum3A_235 = vector.multi_reduction <add>, %integer_pow3A_233, %reduce_sum3A_234 [0] : vector<128x64xf32> to vector<64xf32>
    %broadcast_in_dim3A_236 = vector.shape_cast %reduce_sum3A_235 : vector<64xf32> to vector<1x64xf32>
    %div3A_237 = arith.constant 1.280000e+02 : f32
    %div3A_238 = vector.broadcast %div3A_237 : f32 to vector<1x64xf32>
    %div3A_239 = arith.divf %broadcast_in_dim3A_236, %div3A_238 : vector<1x64xf32>
    %sub3A_240 = vector.broadcast %div3A_230 : vector<1x64xf32> to vector<128x64xf32>
    %sub3A_241 = arith.subf %max3A_218, %sub3A_240 : vector<128x64xf32>
    %add3A_242 = arith.constant 9.99999974E-6 : f32
    %add3A_243 = vector.broadcast %add3A_242 : f32 to vector<1x64xf32>
    %add3A_244 = arith.addf %div3A_239, %add3A_243 : vector<1x64xf32>
    %rsqrt3A_245 = math.rsqrt %add3A_244 : vector<1x64xf32>
    %mul3A_246 = vector.broadcast %rsqrt3A_245 : vector<1x64xf32> to vector<128x64xf32>
    %mul3A_247 = arith.mulf %sub3A_241, %mul3A_246 : vector<128x64xf32>
    %mul3A_248 = vector.broadcast %get3A_221 : vector<1x64xf32> to vector<128x64xf32>
    %mul3A_249 = arith.mulf %mul3A_247, %mul3A_248 : vector<128x64xf32>
    %add3A_250 = vector.broadcast %get3A_224 : vector<1x64xf32> to vector<128x64xf32>
    %add3A_251 = arith.addf %mul3A_249, %add3A_250 : vector<128x64xf32>
    %get3A_252 = arith.constant 0 : index
    %get3A_253 = arith.constant 0 : index
    %get3A_254 = vector.load %arg21[%get3A_252, %get3A_253] : memref<64x16xf32, #tpu.memory_space<vmem>>, vector<64x16xf32>
    %dot_general3A_255 = arith.constant dense<0.000000e+00> : vector<128x16xf32>
    %dot_general3A_256 = tpu.matmul %add3A_251, %get3A_254, %dot_general3A_255 {dimension_numbers = #tpu.dot_dimension_numbers<[1], [0], [0], [1], [0, 0, 1, 1], [], []>, transpose_lhs_hint = false} : vector<128x64xf32>, vector<64x16xf32>, vector<128x16xf32> -> vector<128x16xf32>
    %get3A_257 = arith.constant 0 : index
    %get3A_258 = arith.constant 0 : index
    %get3A_259 = vector.load %arg22[%get3A_257, %get3A_258] : memref<1x16xf32, #tpu.memory_space<vmem>>, vector<1x16xf32>
    %add3A_260 = vector.broadcast %get3A_259 : vector<1x16xf32> to vector<128x16xf32>
    %add3A_261 = arith.addf %dot_general3A_256, %add3A_260 : vector<128x16xf32>
    %swap3A_262 = arith.constant 0 : index
    %swap3A_263 = arith.constant 0 : index
    %swap3A_264 = vector.load %arg23[%swap3A_262, %swap3A_263] : memref<128x16xf32, #tpu.memory_space<vmem>>, vector<128x16xf32>
    tpu.vector_store %arg23[%swap3A_262, %swap3A_263], %add3A_261 {strides = array<i32>} : memref<128x16xf32, #tpu.memory_space<vmem>>, vector<128x16xf32>,
    return
  }
}

</mosaic_0001>

<sc_bundles>
// kernel: kernel.10.cloned.1.call-start
scs
__scs_entry_jumppad:
0x0: {  	(pc) =	sbr.rel $0x88, $3  }
0x1: {  	(tag) =	ssettag $0x0;
	lr =	simm.s32 $0x1  }
0x2: {  	[smem:$0x3F6D] =	sst lr;
	_ =	strace $0xD0000000  }
0x3: {  	_ = 	snop  }
0x4: {  	_ = 	snop  }
0x5: {  	_ = 	snop  }
0x6: {  	_ = 	snop  }
0x7: {  	_ = 	snop  }
__scs_overlays_trampoline_lowered:
0x8: {  	[smem:$0x3F7C] =	sst s0  }
0x9: {  	[smem:$0x3F7D] =	sst s1  }
0xa: {  	[smem:$0x3F7E] =	sst s2  }
0xb: {  	[smem:$0x3F7F] =	sst s3  }
0xc: {  	[smem:$0x3F80] =	sst s4  }
0xd: {  	[smem:$0x3F81] =	sst s5  }
0xe: {  	[smem:$0x3F82] =	sst s6  }
0xf: {  	[smem:$0x3F83] =	sst s7  }
0x10: {  	[smem:$0x3F84] =	sst s8  }
0x11: {  	[smem:$0x3F85] =	sst s9;
	s0 =	simm.s32 @!p0 $0x0  }
0x12: {  	s1 =	sld [smem:$0x3F6B];
	s0 =	simm.s32 @p0 $0x1  }
0x13: {  	[smem:$0x3F86] =	sst s0;
	s0 =	simm.s32 @!p1 $0x0  }
0x14: {  	s2 =	sld [smem:$0x3F6A];
	s0 =	simm.s32 @p1 $0x1  }
0x15: {  	[smem:$0x3F87] =	sst s0;
	s0 =	simm.s32 @!p2 $0x0  }
0x16: {  	s3 =	sld [smem:$0x3FDB];
	s0 =	simm.s32 @p2 $0x1  }
0x17: {  	s4 =	simm.s32 $0x1BF5;
	[smem:$0x3F89] =	sst s0  }
0x18: {  	s0 =	sld [smem:$0x3F6C];
	_ =	swait.ge [sflag:s4], $0x0  }
0x19: {  	s7 =	sld [smem:$0x3F6D]  }
0x1a: {  	s8 =	sadd.s32 $0xFFFFE003, lr  }
0x1b: {  	s9 =	sadd.s32 $0xFFFFFEF7, lr;
	s5 =	simm.s32 $0xFFFFFFFF;
	p2 =	slt.u32 s8, $0xFFFFF086  }
0x1c: {  	p1 =	slt.u32 s9, $0xF7A;
	s5 =	simm.s32 @!p2 $0x0  }
0x1d: {  	s5 =	simm.s32 @p1 $0x1;
	p0 =	seq.s32 s7, s2  }
0x1e: {  	s7 =	smul.u32 @!p0 $0xF7A, s2;
	p2 =	seq.s32 @!p0 s5, $0x0  }
0x1f: {  	s9 =	smul.u32 $0xF7A, s1;
	s8 =	simm.s32 @!p0 $0x1BF5;
	p2 =	por !p2, p0  }
0x20: {  	[sflag:s8] =	ssyncset.s32 @!p0 $0xFFFFF086;
	s6 =	sadd.s32 @!p0 s3, s7;
	s7 =	simm.s32 @!p0 $0x108  }
0x21: {  	s3 =	sadd.s32 s3, s9;
	s6 =	sadd.s32 @!p0 $0x88, s6;
	s7 =	simm.s32 @p2 $0x1082  }
0x22: {  	[simem:s7], [sflag:s8] =	dma.local @!p0 [hbm:s6], $0xF7A  }
0x23: {  	s9 =	sor.u32 $0xD0000000, s2;
	s6 =	simm.s32 $0x108;
	_ =	swait.ge @!p0 [sflag:s8], $0x0  }
0x24: {  	s3 =	sadd.s32 $0x88, s3;
	s6 =	simm.s32 @!p1 $0x1082;
	[sflag:s4] =	ssyncset.s32 $0xFFFFF086  }
0x25: {  	[simem:s6], [sflag:s4] =	dma.local [hbm:s3], $0xF7A  }
0x26: {  	[smem:$0x3F6D] =	sst s1;
	(tag) =	ssettag s2;
	_ =	strace s9  }
0x27: {  	s1 =	sld [smem:$0x3F7D]  }
0x28: {  	s2 =	sld [smem:$0x3F7E]  }
0x29: {  	s4 =	sld [smem:$0x3F80]  }
0x2a: {  	p0 =	seq.s32 s5, $0x0;
	s5 =	sld [smem:$0x3F81]  }
0x2b: {  	s6 =	sld [smem:$0x3F82]  }
0x2c: {  	s7 =	sld [smem:$0x3F83]  }
0x2d: {  	s3 =	simm.s32 $0x108;
	s8 =	sld [smem:$0x3F84]  }
0x2e: {  	s3 =	simm.s32 @!p0 $0x1082;
	s9 =	sld [smem:$0x3F85]  }
0x2f: {  	lr =	sadd.s32 s0, s3;
	s0 =	sld [smem:$0x3F7C]  }
0x30: {  	s3 =	sld [smem:$0x3F7F]  }
0x31: {  	[smem:$0x3F88] =	sst s10  }
0x32: {  	s10 =	sld [smem:$0x3F86];
	_ =	sdelay $0x3  }
0x33: {  	p0 =	seq.s32 s10, $0x1;
	s10 =	sld [smem:$0x3F88];
	_ =	sdelay $0x3  }
0x34: {  	[smem:$0x3F88] =	sst s10  }
0x35: {  	s10 =	sld [smem:$0x3F87];
	_ =	sdelay $0x3  }
0x36: {  	p1 =	seq.s32 s10, $0x1;
	s10 =	sld [smem:$0x3F88];
	_ =	sdelay $0x3  }
0x37: {  	[smem:$0x3F88] =	sst s10  }
0x38: {  	s10 =	sld [smem:$0x3F89]  }
0x39: {  	_ = 	snop;
	(pc) =	sbr.ind lr, $3  }
0x3a: {  	_ = 	snop  }
0x3b: {  	_ = 	snop  }
0x3c: {  	p2 =	seq.s32 s10, $0x1;
	s10 =	sld [smem:$0x3F88]  }
0x3d: {  	_ =	shalt  }
0x3e: {  	_ =	shalt  }
0x3f: {  	_ =	shalt  }
0x40: {  	_ =	shalt  }
0x41: {  	_ =	shalt  }
0x42: {  	_ =	shalt  }
0x43: {  	_ =	shalt  }
0x44: {  	_ =	shalt  }
0x45: {  	_ =	shalt  }
0x46: {  	_ =	shalt  }
0x47: {  	_ =	shalt  }
0x48: {  	_ =	shalt  }
0x49: {  	_ =	shalt  }
0x4a: {  	_ =	shalt  }
0x4b: {  	_ =	shalt  }
0x4c: {  	_ =	shalt  }
0x4d: {  	_ =	shalt  }
0x4e: {  	_ =	shalt  }
0x4f: {  	_ =	shalt  }
0x50: {  	_ =	shalt  }
0x51: {  	_ =	shalt  }
0x52: {  	_ =	shalt  }
0x53: {  	_ =	shalt  }
0x54: {  	_ =	shalt  }
0x55: {  	_ =	shalt  }
0x56: {  	_ =	shalt  }
0x57: {  	_ =	shalt  }
0x58: {  	_ =	shalt  }
0x59: {  	_ =	shalt  }
0x5a: {  	_ =	shalt  }
0x5b: {  	_ =	shalt  }
0x5c: {  	_ =	shalt  }
0x5d: {  	_ =	shalt  }
0x5e: {  	_ =	shalt  }
0x5f: {  	_ =	shalt  }
0x60: {  	_ =	shalt  }
0x61: {  	_ =	shalt  }
0x62: {  	_ =	shalt  }
0x63: {  	_ =	shalt  }
0x64: {  	_ =	shalt  }
0x65: {  	_ =	shalt  }
0x66: {  	_ =	shalt  }
0x67: {  	_ =	shalt  }
0x68: {  	_ =	shalt  }
0x69: {  	_ =	shalt  }
0x6a: {  	_ =	shalt  }
0x6b: {  	_ =	shalt  }
0x6c: {  	_ =	shalt  }
0x6d: {  	_ =	shalt  }
0x6e: {  	_ =	shalt  }
0x6f: {  	_ =	shalt  }
0x70: {  	_ =	shalt  }
0x71: {  	_ =	shalt  }
0x72: {  	_ =	shalt  }
0x73: {  	_ =	shalt  }
0x74: {  	_ =	shalt  }
0x75: {  	_ =	shalt  }
0x76: {  	_ =	shalt  }
0x77: {  	_ =	shalt  }
0x78: {  	_ =	shalt  }
0x79: {  	_ =	shalt  }
0x7a: {  	_ =	shalt  }
0x7b: {  	_ =	shalt  }
0x7c: {  	_ =	shalt  }
0x7d: {  	_ =	shalt  }
0x7e: {  	_ =	shalt  }
0x7f: {  	_ =	shalt  }
0x80: {  	_ =	shalt  }
0x81: {  	_ =	shalt  }
0x82: {  	_ =	shalt  }
0x83: {  	_ =	shalt  }
0x84: {  	_ =	shalt  }
0x85: {  	_ =	shalt  }
0x86: {  	_ =	shalt  }
0x87: {  	_ =	shalt  }
.Lfunc_end0:
.L_simem_size_0:
called_computation_lowered:
.L_overlay_start_0:
0x88: {  	s2 =	sld [smem:$0x3FD9]  }
0x89: {  	s3 =	sld [smem:$0x3FFE];
	_ =	sdelay $0x1  }
0x8a: {  	s1 =	srdreg.scid  }
0x8b: {  	s0 =	sand.u32 $0x1, s1  }
0x8c: {  	s16 =	sshll.u32 s0, $0xA;
	s2 =	sadd.s32 s3, s2  }
0x8d: {  	s2 =	sadd.s32 s2, s16  }
0x8e: {  	[smem:$0x3F94] =	sst s2  }
0x8f: {  	_ = 	snop  }
0x90: {  	(tm) =	ssettm $0x1  }
0x91: {  	s17 =	sld [smem:$0x3FFB];
	_ =	sdelay $0x3  }
0x92: {  	_ =	strace s17  }
0x93: {  	s2 =	sld [smem:$0x3FFC];
	_ =	sdelay $0x3  }
0x94: {  	_ =	strace s2  }
0x95: {  	s2 =	sld [smem:$0x3FFD];
	_ =	sdelay $0x3  }
0x96: {  	_ =	strace s2  }
0x97: {  	_ =	strace $0x8FFFFFFF  }
0x98: {  	s18 =	sld [smem:$0x3FDB];
	_ =	sdelay $0x1  }
0x99: {  	s19 =	simm.s32 $_scs_section_size  }
0x9a: {  	s4 =	simm.s32 $_size__tile_overlayer_lowered;
	s5 =	simm.s32 $_tile_overlayer_lowered  }
0x9b: {  	s22 =	simm.s32 $0x1BFF;
	s21 =	sshll.u32 s5, $0x1;
	s2 =	sadd.s32 s19, s18  }
0x9c: {  	s6 =	simm.s32 $0x0;
	s20 =	sshll.u32 s4, $0x1;
	s4 =	sadd.s32 s21, s2  }
0x9d: {  	[timem:s6], [sflag:s22] =	dma.local [hbm:s4], s20  }
0x9e: {  	_ =	swait.ge [sflag:s22], s20  }
0x9f: {  	s3 =	ssub.s32 $0x0, s20;
	[sflag:s22] =	ssyncset.done $0x0  }
0xa0: {  	[sflag:s22] =	ssyncadd.s32 s3;
	_ =	sdelay $0x1  }
0xa1: {  	s23 =	simm.s32 $0x1B8B  }
0xa2: {  	_ =	swait.ge [sflag:s23], $0x1  }
0xa3: {  	[sflag:s23] =	ssyncset.done $0x0  }
0xa4: {  	s25 =	simm.s32 $0x1B8E;
	s24 =	sld [smem:$0x3FFE];
	[sflag:s23] =	ssyncadd.s32 $0xFFFFFFFF  }
0xa5: {  	s26 =	simm.s32 $execute0_lowered;
	[smem:$0x3FD2] =	sst s25  }
0xa6: {  	s4 =	sshll.u32 s26, $0x1;
	_ =	strace $0x80000046;
	[dreg:$0x1] =	wrdreg $0xFFFFFFFF  }
0xa7: {  	s28 =	simm.s32 $_size_execute0_lowered;
	s2 =	sadd.s32 s2, s4;
	[dreg:$0x0] =	wrdreg $0x0  }
0xa8: {  	s4 =	sshll.u32 s28, $0x1;
	[dreg:$0x2] =	wrdreg s2  }
0xa9: {  	[dreg:$0x3] =	wrdreg s4  }
0xaa: {  	[dreg:$0x4] =	wrdreg $0xC0  }
0xab: {  	_ =	task [dreg:s6], $0x5FFFF  }
0xac: {  	[dreg:$0x1] =	wrdreg $0xFFFFFFFF  }
0xad: {  	[dreg:$0x0] =	wrdreg $0x60  }
0xae: {  	[dreg:$0x2] =	wrdreg s24  }
0xaf: {  	[dreg:$0x3] =	wrdreg $0xB5000  }
0xb0: {  	[dreg:$0x4] =	wrdreg $0x9  }
0xb1: {  	_ =	task.clear_ibuf [dreg:s6], $0x5FFFF;
	_ =	strace $0x90000046  }
0xb2: {  	s29 =	simm.s32 $0x9;
	_ =	strace $0x80000048  }
0xb3: {  	_ =	swait.ge [sflag:s29], $0x1  }
0xb4: {  	[sflag:s29] =	ssyncadd.s32 $0xFFFFFFFF  }
0xb5: {  	_ =	strace $0x90000048  }
0xb6: {  	_ =	sfence  }
0xb7: {  	s30 =	sld [smem:$0x0];
	_ =	sdelay $0x2  }
0xb8: {  	s31 =	sshll.u32 s1, $0xD;
	s1 =	sshrl.u32 s1, $0x2  }
0xb9: {  	s3 =	sand.u32 $0x4000, s31;
	s1 =	sadd.s32 s1, s30  }
0xba: {  	s0 =	sor.u32 s3, s0;
	s1 =	sshll.u32 s1, $0x11  }
0xbb: {  	s0 =	sor.u32 s1, s0  }
0xbc: {  	s0 =	sadd.s32 $0x8F2B, s0  }
0xbd: {  	[sflag:s0] =	ssyncadd.remote.s32 $0x1  }
0xbe: {  	_ =	sfence.sel $0xFFFF  }
0xbf: {  	[dreg:$0x0] =	wrdreg $0xFFFFFFFF;
	(pc) =	sbr.abs _section_cstart, $3  }
0xc0: {  	[dreg:$0x1] =	wrdreg $0xFFFFFFFF  }
0xc1: {  	_ =	task.clear_ibuf [dreg:s6], $0x2FFFF;
	_ =	strace $0x9FFFFFFF  }
0xc2: {  	(tm) =	ssettm $0x7FFFFFFF  }
0xc3: {  	_ =	shalt  }
tec
execute0_lowered:
.L_overlay_start_1:
0x0: {  	(tag) =	ssettag $0x1  }
0x1: {  	s9 =	rddreg [dreg:$0x0]  }
0x2: {  	s1 =	rddreg [dreg:$0x1]  }
0x3: {  	s2 =	simm.s32 $0x0;
	s3 =	srdreg.scid;
	s21 =	simm.s32 $0x2  }
0x4: {  	s22 =	simm.s32 $0x3;
	s23 =	simm.s32 $0x80;
	s24 =	simm.s32 $0x100  }
0x5: {  	s25 =	simm.s32 $0x4100;
	[smem:$0x7FF] =	sst s2;
	s4 =	sadd.s32 $0x4FCA00, s9  }
0x6: {  	s5 =	sadd.s32 $0x4F2C00, s9;
	s6 =	sand.u32 $0x1, s3;
	s3 =	stileid.u32  }
0x7: {  	s7 =	sadd.s32 $0x4E8E00, s9;
	s8 =	sadd.s32 $0x6E00, s9;
	s11 =	smul.u32 $0x4E000, s3  }
0x8: {  	s26 =	simm.s32 $0x1;
	s17 =	sadd.s32 $0x523C00, s9;
	s15 =	smul.u32 $0x138800, s6  }
0x9: {  	_ =	strace $0x80000047;
	s10 =	ssub.s32 $0x2, s6;
	s16 =	smul.u32 $0x13800, s3  }
0xa: {  	s9 =	sshll.u32 s3, $0x1;
	p0 =	sne.s32 s3, $0xF;
	s30 =	sshrl.u32 s10, $0x1  }
0xb: {  	s19 =	ssub.s32 s10, s30;
	s31 =	sshrl.u32 s11, $0x2;
	s16 =	sadd.s32 s16, s15  }
.Ltmp0:
0xc: {  	s18 =	sshrl.u32 s15, $0x3;
	s10 =	sadd.s32 s31, s1;
	(pc) =	sbr.rel .LBB2_1-.Ltmp0, $4  }
0xd: {  	s20 =	sshrl.u32 s16, $0x3;
	s18 =	sadd.s32 s17, s18;
	s16 =	sadd.s32 $0x138000, s1  }
0xe: {  	s19 =	smax.u32 s19, $0x1;
	s11 =	sadd.s32 $0x3400, s10;
	s12 =	sadd.s32 $0x6800, s10  }
0xf: {  	s13 =	sadd.s32 $0x9C00, s10;
	s14 =	sadd.s32 $0xD000, s10;
	s15 =	sadd.s32 $0x10400, s10  }
0x10: {  	v0 =	vimm.f32 $0.0e+00;
	s17 =	sadd.s32 s17, s20;
	s18 =	sadd.s32 $0x27000, s18;
	s20 =	simm.s32 $0x8100  }
.LBB2_9:
0x11: {  	s0 =	sshll.u32 s3, $0x6  }
0x12: {  	[bflag:$0x0] =	sbarrier.arrive $0xFFFF;
	s28 =	sshrl.u32 s10, $0x3;
	s0 =	sor.u32 $0x1C02, s0  }
0x13: {  	[hbm:s17], [sflag:s0] =	dma.local [spmem:s28], $0x2700  }
0x14: {  	_ =	swait.ge [sflag:s21], $0x2700  }
0x15: {  	s2 =	sadd.s32 $0x1, s2;
	[sflag:s21] =	ssyncset.done $0x0  }
0x16: {  	p1 =	sne.s32 s2, s19;
	s28 =	sshrl.u32 @!p0 s16, $0x3;
	[sflag:s21] =	ssyncadd.s32 $0xFFFFD900  }
0x17: {  	[hbm:s18], [sflag:s0] =	dma.local @!p0 [spmem:s28], $0x100  }
.Ltmp1:
0x18: {  	_ = 	snop;
	(pc) =	sbr.rel @!p1 .LBB2_10-.Ltmp1, $4  }
0x19: {  	s0 =	simm.s32 @!p0 $0x2  }
0x1a: {  	_ =	swait.ge @!p0 [sflag:s0], $0x100  }
0x1b: {  	[sflag:s0] =	ssyncset.done @!p0 $0x0  }
0x1c: {  	[sflag:s0] =	ssyncadd.s32 @!p0 $0xFFFFFF00  }
.LBB2_1:
0x1d: {  	s28 =	simm.s32 $0x0;
	s29 =	simm.s32 $0x200  }
.LBB2_2:
0x1e: {  	p1 =	sne.s32 s29, $0xCE00;
	[tilespmem:s28+$0x8170] =	vst v0  }
0x1f: {  	[tilespmem:s28+$0x8100] =	vst v0  }
0x20: {  	[tilespmem:s28+$0x8110] =	vst v0  }
.Ltmp2:
0x21: {  	[tilespmem:s28+$0x8120] =	vst v0;
	(pc) =	sbr.rel @p1 .LBB2_2-.Ltmp2, $4  }
0x22: {  	[tilespmem:s28+$0x8130] =	vst v0  }
0x23: {  	[tilespmem:s28+$0x8140] =	vst v0  }
0x24: {  	[tilespmem:s28+$0x8150] =	vst v0  }
0x25: {  	[tilespmem:s28+$0x8160] =	vst v0;
	s28 =	sshra.s32 s29, $0x2;
	s29 =	sadd.s32 $0x200, s29  }
0x26: {  	[tilespmem:s28+$0x8170] =	vst v0  }
0x27: {  	[tilespmem:s28+$0x8100] =	vst v0  }
0x28: {  	[tilespmem:s28+$0x8110] =	vst v0  }
0x29: {  	[tilespmem:s28+$0x8120] =	vst v0  }
0x2a: {  	[tilespmem:s28+$0x8130] =	vst v0  }
0x2b: {  	[tilespmem:s28+$0x8140] =	vst v0  }
0x2c: {  	[tilespmem:s28+$0x8150] =	vst v0  }
0x2d: {  	[tilespmem:s28+$0x8160] =	vst v0  }
0x2e: {  	[spmem:s10] =	stream.linear.scatter [tilespmem:s20], [sflag:$0x2], $0x3400, $0x38;
	[tilespmem:$0x1ED80] =	vst v63  }
0x2f: {  	_ =	swait.ge [sflag:s21], $0x3400  }
0x30: {  	[sflag:s21] =	ssyncset.done $0x0  }
0x31: {  	[sflag:s21] =	ssyncadd.s32 $0xFFFFCC00  }
0x32: {  	[spmem:s11] =	stream.linear.scatter [tilespmem:s20], [sflag:$0x2], $0x3400, $0x38;
	[tilespmem:$0x1ED80] =	vst v63  }
0x33: {  	_ =	swait.ge [sflag:s21], $0x3400  }
0x34: {  	[sflag:s21] =	ssyncset.done $0x0  }
0x35: {  	[sflag:s21] =	ssyncadd.s32 $0xFFFFCC00  }
0x36: {  	[spmem:s12] =	stream.linear.scatter [tilespmem:s20], [sflag:$0x2], $0x3400, $0x38;
	[tilespmem:$0x1ED80] =	vst v63  }
0x37: {  	_ =	swait.ge [sflag:s21], $0x3400  }
0x38: {  	[sflag:s21] =	ssyncset.done $0x0  }
0x39: {  	[sflag:s21] =	ssyncadd.s32 $0xFFFFCC00  }
0x3a: {  	[spmem:s13] =	stream.linear.scatter [tilespmem:s20], [sflag:$0x2], $0x3400, $0x38;
	[tilespmem:$0x1ED80] =	vst v63  }
0x3b: {  	_ =	swait.ge [sflag:s21], $0x3400  }
0x3c: {  	[sflag:s21] =	ssyncset.done $0x0  }
0x3d: {  	[sflag:s21] =	ssyncadd.s32 $0xFFFFCC00  }
0x3e: {  	[spmem:s14] =	stream.linear.scatter [tilespmem:s20], [sflag:$0x2], $0x3400, $0x38;
	[tilespmem:$0x1ED80] =	vst v63  }
0x3f: {  	_ =	swait.ge [sflag:s21], $0x3400  }
0x40: {  	[sflag:s21] =	ssyncset.done $0x0  }
0x41: {  	[sflag:s21] =	ssyncadd.s32 $0xFFFFCC00  }
0x42: {  	[spmem:s15] =	stream.linear.scatter [tilespmem:s20], [sflag:$0x2], $0x3400, $0x38;
	[tilespmem:$0x1ED80] =	vst v63  }
0x43: {  	_ =	swait.ge [sflag:s21], $0x3400  }
0x44: {  	[sflag:s21] =	ssyncset.done $0x0  }
0x45: {  	s28 =	simm.s32 @!p0 $0x8100;
	[sflag:s21] =	ssyncadd.s32 $0xFFFFCC00  }
0x46: {  	[spmem:s16] =	stream.linear.scatter @!p0 [tilespmem:s28], [sflag:$0x2], $0x800, $0x38;
	[tilespmem:$0x1ED80] =	vst v63  }
0x47: {  	s28 =	simm.s32 @!p0 $0x2  }
.Ltmp3:
0x48: {  	_ =	swait.ge @!p0 [sflag:s28], $0x800;
	(pc) =	sbr.rel .LBB2_4-.Ltmp3, $4  }
0x49: {  	[sflag:s28] =	ssyncset.done @!p0 $0x0  }
0x4a: {  	[sflag:s28] =	ssyncadd.s32 @!p0 $0xFFFFF800  }
0x4b: {  	[bflag:$0x0] =	sbarrier.arrive $0xFFFF  }
0x4c: {  	s28 =	simm.s32 $0x0  }
.LBB2_8:
0x4d: {  	s28 =	sadd.s32 $0x1, s28  }
0x4e: {  	p1 =	sne.s32 s28, $0x4F  }
.Ltmp4:
0x4f: {  	_ = 	snop;
	(pc) =	sbr.rel @!p1 .LBB2_9-.Ltmp4, $1  }
0x50: {  	_ =	sdelay $0x3  }
.LBB2_4:
0x51: {  	s29 =	sshll.u32 s28, $0x5  }
0x52: {  	s29 =	sor.u32 s9, s29  }
0x53: {  	p1 =	sgt.u32 s29, $0x9C3  }
.Ltmp5:
0x54: {  	_ = 	snop;
	(pc) =	sbr.rel @p1 .LBB2_8-.Ltmp5, $1  }
0x55: {  	_ =	sdelay $0x3  }
0x56: {  	s29 =	sor.u32 s6, s29  }
0x57: {  	s30 =	sshll.u32 s29, $0x4  }
0x58: {  	s0 =	simm.s32 $0x0;
	s31 =	sadd.s32 s5, s30  }
0x59: {  	[tilespmem:s0], [sflag:$0x3] =	stream.linear.gather [hbm4b:s31+s0], $0x80, $0x38;
	[tilespmem:$0x1ED80] =	vst v63  }
0x5a: {  	_ =	swait.ge [sflag:s22], $0x80  }
0x5b: {  	[sflag:s22] =	ssyncset.done $0x0  }
0x5c: {  	s30 =	sadd.s32 s7, s30;
	[sflag:s22] =	ssyncadd.s32 $0xFFFFFF80  }
0x5d: {  	[tilespmem:s23], [sflag:$0x3] =	stream.linear.gather [hbm4b:s30+s0], $0x80, $0x38;
	[tilespmem:$0x1ED80] =	vst v63  }
0x5e: {  	_ =	swait.ge [sflag:s22], $0x80  }
0x5f: {  	[sflag:s22] =	ssyncset.done $0x0  }
0x60: {  	s29 =	sshll.u32 s29, $0xB;
	[sflag:s22] =	ssyncadd.s32 $0xFFFFFF80  }
0x61: {  	[tilespmem:s24], [sflag:$0x1] =	stream.indirect.gather [hbm4b:s4+s23], $0x80, s0, s23, $0xb8;
	[tilespmem:$0x1ED80] =	vst v63  }
0x62: {  	s29 =	sadd.s32 s8, s29  }
0x63: {  	[tilespmem:s25], [sflag:$0x3] =	stream.linear.gather [hbm4b:s29+s0], $0x4000, $0x38;
	[tilespmem:$0x1ED80] =	vst v63  }
0x64: {  	_ =	swait.ge [sflag:s22], $0x4000  }
0x65: {  	[sflag:s22] =	ssyncset.done $0x0  }
0x66: {  	[sflag:s22] =	ssyncadd.s32 $0xFFFFC000  }
0x67: {  	_ =	swait.ge [sflag:s26], $0x4000  }
0x68: {  	[sflag:s26] =	ssyncset.done $0x0  }
0x69: {  	s29 =	simm.s32 $0x0;
	[sflag:s26] =	ssyncadd.s32 $0xFFFFC000  }
0x6a: {  	v5 =	vld [tilespmem:s29+$0x4100]  }
0x6b: {  	v3 =	vld [tilespmem:s29+$0x4110]  }
0x6c: {  	v2 =	vld [tilespmem:s29+$0x4120]  }
0x6d: {  	v4 =	vld [tilespmem:s29+$0x4130]  }
0x6e: {  	v1 =	vld [tilespmem:s29+$0x4130]  }
0x6f: {  	v6 =	vld [tilespmem:s29+$0x100]  }
0x70: {  	v11 =	vld [tilespmem:s29+$0x110]  }
0x71: {  	v10 =	vld [tilespmem:s29+$0x120]  }
0x72: {  	v9 =	vld [tilespmem:s29+$0x130]  }
0x73: {  	v8 =	vld [tilespmem:s29+$0x140]  }
0x74: {  	v7 =	vld [tilespmem:s29+$0x150];
	v12 =	vadd.f32 v6, v5  }
0x75: {  	s30 =	simm.s32 $0x200;
	v11 =	vadd.f32 v11, v3;
	v6 =	vld [tilespmem:s29+$0x160]  }
.LBB2_6:
0x76: {  	s0 =	sshra.s32 s30, $0x2;
	p1 =	sne.s32 s30, $0xFE00;
	v12 =	vmax.f32 v12, $0.0e+00;
	v10 =	vadd.f32 v10, v2;
	v13 =	vld [tilespmem:s29+$0x170]  }
0x77: {  	v14 =	vld [tilespmem:s0+$0x4100];
	[tilespmem:s29+$0x100] =	vst v12;
	v11 =	vmax.f32 v11, $0.0e+00;
	v4 =	vadd.f32 v9, v4  }
0x78: {  	v9 =	vld [tilespmem:s0+$0x4110];
	[tilespmem:s29+$0x110] =	vst v11;
	v10 =	vmax.f32 v10, $0.0e+00;
	v5 =	vadd.f32 v8, v5  }
0x79: {  	v8 =	vld [tilespmem:s0+$0x4120];
	[tilespmem:s29+$0x120] =	vst v10;
	v10 =	vmax.f32 v4, $0.0e+00;
	v3 =	vadd.f32 v7, v3  }
0x7a: {  	v4 =	vld [tilespmem:s0+$0x4130];
	[tilespmem:s29+$0x130] =	vst v10;
	v10 =	vmax.f32 v5, $0.0e+00;
	v2 =	vadd.f32 v6, v2  }
0x7b: {  	[tilespmem:s29+$0x140] =	vst v10;
	v10 =	vmax.f32 v3, $0.0e+00;
	v6 =	vadd.f32 v13, v1;
	v1 =	vld [tilespmem:s0+$0x4130]  }
0x7c: {  	v7 =	vld [tilespmem:s0+$0x100];
	[tilespmem:s29+$0x150] =	vst v10;
	v12 =	vmax.f32 v2, $0.0e+00;
	v5 =	vmov v14  }
0x7d: {  	v11 =	vld [tilespmem:s0+$0x110];
	[tilespmem:s29+$0x160] =	vst v12;
	v6 =	vmax.f32 v6, $0.0e+00;
	v3 =	vmov v9  }
.Ltmp6:
0x7e: {  	v10 =	vld [tilespmem:s0+$0x120];
	[tilespmem:s29+$0x170] =	vst v6;
	v2 =	vmov v8;
	s29 =	smov.u32 s0;
	(pc) =	sbr.rel @p1 .LBB2_6-.Ltmp6, $4  }
0x7f: {  	v9 =	vld [tilespmem:s29+$0x130]  }
0x80: {  	v8 =	vld [tilespmem:s29+$0x140]  }
0x81: {  	v12 =	vadd.f32 v7, v5;
	v7 =	vld [tilespmem:s29+$0x150]  }
0x82: {  	s30 =	sadd.s32 $0x200, s30;
	v11 =	vadd.f32 v11, v3;
	v6 =	vld [tilespmem:s29+$0x160]  }
0x83: {  	v12 =	vmax.f32 v12, $0.0e+00;
	v10 =	vadd.f32 v10, v2;
	v13 =	vld [tilespmem:s29+$0x170]  }
0x84: {  	[tilespmem:s29+$0x100] =	vst v12;
	v11 =	vmax.f32 v11, $0.0e+00;
	v4 =	vadd.f32 v9, v4  }
0x85: {  	[tilespmem:s29+$0x110] =	vst v11;
	v62 =	vmax.f32 v10, $0.0e+00;
	v5 =	vadd.f32 v8, v5  }
0x86: {  	[tilespmem:s29+$0x120] =	vst v62;
	v4 =	vmax.f32 v4, $0.0e+00;
	v3 =	vadd.f32 v7, v3  }
0x87: {  	[tilespmem:s29+$0x130] =	vst v4;
	v63 =	vmax.f32 v5, $0.0e+00;
	v2 =	vadd.f32 v6, v2  }
0x88: {  	[tilespmem:s29+$0x140] =	vst v63;
	v3 =	vmax.f32 v3, $0.0e+00;
	v1 =	vadd.f32 v13, v1  }
0x89: {  	[tilespmem:s29+$0x150] =	vst v3;
	v2 =	vmax.f32 v2, $0.0e+00  }
0x8a: {  	[tilespmem:s29+$0x160] =	vst v2;
	v1 =	vmax.f32 v1, $0.0e+00  }
.Ltmp7:
0x8b: {  	[tilespmem:s29+$0x170] =	vst v1;
	(pc) =	sbr.rel .LBB2_8-.Ltmp7, $4  }
0x8c: {  	[spmem:s1] =	stream.indirect.scatter.add.f32 [tilespmem:s24], [sflag:$0x2], $0x80, s23, s23, $0xb8;
	[tilespmem:$0x1ED80] =	vst v63  }
0x8d: {  	_ =	swait.ge [sflag:s21], $0x4000  }
0x8e: {  	[sflag:s21] =	ssyncset.done $0x0  }
0x8f: {  	[sflag:s21] =	ssyncadd.s32 $0xFFFFC000  }
.LBB2_10:
0x90: {  	_ =	sfence.sel $0x180000  }
0x91: {  	[bflag:$0x0] =	sbarrier.arrive $0xFFFF  }
0x92: {  	_ =	strace $0x90000047  }
0x93: {  	[bflag:$0x2] =	sbarrier.arrive $0xFFFF  }
0x94: {  	p0 =	sne.s32 s3, $0x0;
	s0 =	rddreg [dreg:$0x2]  }
0x95: {  	s0 =	sadd.s32 @!p0 $0x100000, s0  }
0x96: {  	[sflag:s0] =	ssyncadd.tile.s32 @!p0 $0x1;
	_ =	shalt  }
.Lfunc_end2:
_tile_overlayer_lowered:
.L_overlay_start_2:
0x97: {  	(tag) =	ssettag $0x2  }
0x98: {  	s0 =	rddreg [dreg:$0x0];
	s2 =	stileid.u32  }
0x99: {  	s1 =	rddreg [dreg:$0x1];
	p0 =	sne.s32 s2, $0x0  }
0x9a: {  	s3 =	rddreg [dreg:$0x2];
	[bflag:$0x3] =	sbarrier.arrive $0xFFFF;
	s2 =	simm.s32 @!p0 $0x1C02  }
0x9b: {  	[timem:s3], [sflag:s2] =	dma.local @!p0 [hbm:s0], s1  }
0x9c: {  	s0 =	simm.s32 @!p0 $0x2  }
0x9d: {  	_ =	swait.ge @!p0 [sflag:s0], s1  }
0x9e: {  	s1 =	ssub.s32 @!p0 $0x0, s1;
	[sflag:s0] =	ssyncset.done @!p0 $0x0  }
0x9f: {  	[sflag:s0] =	ssyncadd.s32 @!p0 s1  }
0xa0: {  	[bflag:$0x3] =	sbarrier.arrive $0xFFFF  }
0xa1: {  	_ =	shalt  }

// kernel: kernel.13.cloned.1.call-start
scs
__scs_entry_jumppad:
0x0: {  	(pc) =	sbr.rel $0x88, $3  }
0x1: {  	(tag) =	ssettag $0x0;
	lr =	simm.s32 $0x1  }
0x2: {  	[smem:$0x3F6D] =	sst lr;
	_ =	strace $0xD0000000  }
0x3: {  	_ = 	snop  }
0x4: {  	_ = 	snop  }
0x5: {  	_ = 	snop  }
0x6: {  	_ = 	snop  }
0x7: {  	_ = 	snop  }
__scs_overlays_trampoline_lowered:
0x8: {  	[smem:$0x3F7C] =	sst s0  }
0x9: {  	[smem:$0x3F7D] =	sst s1  }
0xa: {  	[smem:$0x3F7E] =	sst s2  }
0xb: {  	[smem:$0x3F7F] =	sst s3  }
0xc: {  	[smem:$0x3F80] =	sst s4  }
0xd: {  	[smem:$0x3F81] =	sst s5  }
0xe: {  	[smem:$0x3F82] =	sst s6  }
0xf: {  	[smem:$0x3F83] =	sst s7  }
0x10: {  	[smem:$0x3F84] =	sst s8  }
0x11: {  	[smem:$0x3F85] =	sst s9;
	s0 =	simm.s32 @!p0 $0x0  }
0x12: {  	s1 =	sld [smem:$0x3F6B];
	s0 =	simm.s32 @p0 $0x1  }
0x13: {  	[smem:$0x3F86] =	sst s0;
	s0 =	simm.s32 @!p1 $0x0  }
0x14: {  	s2 =	sld [smem:$0x3F6A];
	s0 =	simm.s32 @p1 $0x1  }
0x15: {  	[smem:$0x3F87] =	sst s0;
	s0 =	simm.s32 @!p2 $0x0  }
0x16: {  	s3 =	sld [smem:$0x3FDB];
	s0 =	simm.s32 @p2 $0x1  }
0x17: {  	s4 =	simm.s32 $0x1BF5;
	[smem:$0x3F89] =	sst s0  }
0x18: {  	s0 =	sld [smem:$0x3F6C];
	_ =	swait.ge [sflag:s4], $0x0  }
0x19: {  	s7 =	sld [smem:$0x3F6D]  }
0x1a: {  	s8 =	sadd.s32 $0xFFFFE003, lr  }
0x1b: {  	s9 =	sadd.s32 $0xFFFFFEF7, lr;
	s5 =	simm.s32 $0xFFFFFFFF;
	p2 =	slt.u32 s8, $0xFFFFF086  }
0x1c: {  	p1 =	slt.u32 s9, $0xF7A;
	s5 =	simm.s32 @!p2 $0x0  }
0x1d: {  	s5 =	simm.s32 @p1 $0x1;
	p0 =	seq.s32 s7, s2  }
0x1e: {  	s7 =	smul.u32 @!p0 $0xF7A, s2;
	p2 =	seq.s32 @!p0 s5, $0x0  }
0x1f: {  	s9 =	smul.u32 $0xF7A, s1;
	s8 =	simm.s32 @!p0 $0x1BF5;
	p2 =	por !p2, p0  }
0x20: {  	[sflag:s8] =	ssyncset.s32 @!p0 $0xFFFFF086;
	s6 =	sadd.s32 @!p0 s3, s7;
	s7 =	simm.s32 @!p0 $0x108  }
0x21: {  	s3 =	sadd.s32 s3, s9;
	s6 =	sadd.s32 @!p0 $0x88, s6;
	s7 =	simm.s32 @p2 $0x1082  }
0x22: {  	[simem:s7], [sflag:s8] =	dma.local @!p0 [hbm:s6], $0xF7A  }
0x23: {  	s9 =	sor.u32 $0xD0000000, s2;
	s6 =	simm.s32 $0x108;
	_ =	swait.ge @!p0 [sflag:s8], $0x0  }
0x24: {  	s3 =	sadd.s32 $0x88, s3;
	s6 =	simm.s32 @!p1 $0x1082;
	[sflag:s4] =	ssyncset.s32 $0xFFFFF086  }
0x25: {  	[simem:s6], [sflag:s4] =	dma.local [hbm:s3], $0xF7A  }
0x26: {  	[smem:$0x3F6D] =	sst s1;
	(tag) =	ssettag s2;
	_ =	strace s9  }
0x27: {  	s1 =	sld [smem:$0x3F7D]  }
0x28: {  	s2 =	sld [smem:$0x3F7E]  }
0x29: {  	s4 =	sld [smem:$0x3F80]  }
0x2a: {  	p0 =	seq.s32 s5, $0x0;
	s5 =	sld [smem:$0x3F81]  }
0x2b: {  	s6 =	sld [smem:$0x3F82]  }
0x2c: {  	s7 =	sld [smem:$0x3F83]  }
0x2d: {  	s3 =	simm.s32 $0x108;
	s8 =	sld [smem:$0x3F84]  }
0x2e: {  	s3 =	simm.s32 @!p0 $0x1082;
	s9 =	sld [smem:$0x3F85]  }
0x2f: {  	lr =	sadd.s32 s0, s3;
	s0 =	sld [smem:$0x3F7C]  }
0x30: {  	s3 =	sld [smem:$0x3F7F]  }
0x31: {  	[smem:$0x3F88] =	sst s10  }
0x32: {  	s10 =	sld [smem:$0x3F86];
	_ =	sdelay $0x3  }
0x33: {  	p0 =	seq.s32 s10, $0x1;
	s10 =	sld [smem:$0x3F88];
	_ =	sdelay $0x3  }
0x34: {  	[smem:$0x3F88] =	sst s10  }
0x35: {  	s10 =	sld [smem:$0x3F87];
	_ =	sdelay $0x3  }
0x36: {  	p1 =	seq.s32 s10, $0x1;
	s10 =	sld [smem:$0x3F88];
	_ =	sdelay $0x3  }
0x37: {  	[smem:$0x3F88] =	sst s10  }
0x38: {  	s10 =	sld [smem:$0x3F89]  }
0x39: {  	_ = 	snop;
	(pc) =	sbr.ind lr, $3  }
0x3a: {  	_ = 	snop  }
0x3b: {  	_ = 	snop  }
0x3c: {  	p2 =	seq.s32 s10, $0x1;
	s10 =	sld [smem:$0x3F88]  }
0x3d: {  	_ =	shalt  }
0x3e: {  	_ =	shalt  }
0x3f: {  	_ =	shalt  }
0x40: {  	_ =	shalt  }
0x41: {  	_ =	shalt  }
0x42: {  	_ =	shalt  }
0x43: {  	_ =	shalt  }
0x44: {  	_ =	shalt  }
0x45: {  	_ =	shalt  }
0x46: {  	_ =	shalt  }
0x47: {  	_ =	shalt  }
0x48: {  	_ =	shalt  }
0x49: {  	_ =	shalt  }
0x4a: {  	_ =	shalt  }
0x4b: {  	_ =	shalt  }
0x4c: {  	_ =	shalt  }
0x4d: {  	_ =	shalt  }
0x4e: {  	_ =	shalt  }
0x4f: {  	_ =	shalt  }
0x50: {  	_ =	shalt  }
0x51: {  	_ =	shalt  }
0x52: {  	_ =	shalt  }
0x53: {  	_ =	shalt  }
0x54: {  	_ =	shalt  }
0x55: {  	_ =	shalt  }
0x56: {  	_ =	shalt  }
0x57: {  	_ =	shalt  }
0x58: {  	_ =	shalt  }
0x59: {  	_ =	shalt  }
0x5a: {  	_ =	shalt  }
0x5b: {  	_ =	shalt  }
0x5c: {  	_ =	shalt  }
0x5d: {  	_ =	shalt  }
0x5e: {  	_ =	shalt  }
0x5f: {  	_ =	shalt  }
0x60: {  	_ =	shalt  }
0x61: {  	_ =	shalt  }
0x62: {  	_ =	shalt  }
0x63: {  	_ =	shalt  }
0x64: {  	_ =	shalt  }
0x65: {  	_ =	shalt  }
0x66: {  	_ =	shalt  }
0x67: {  	_ =	shalt  }
0x68: {  	_ =	shalt  }
0x69: {  	_ =	shalt  }
0x6a: {  	_ =	shalt  }
0x6b: {  	_ =	shalt  }
0x6c: {  	_ =	shalt  }
0x6d: {  	_ =	shalt  }
0x6e: {  	_ =	shalt  }
0x6f: {  	_ =	shalt  }
0x70: {  	_ =	shalt  }
0x71: {  	_ =	shalt  }
0x72: {  	_ =	shalt  }
0x73: {  	_ =	shalt  }
0x74: {  	_ =	shalt  }
0x75: {  	_ =	shalt  }
0x76: {  	_ =	shalt  }
0x77: {  	_ =	shalt  }
0x78: {  	_ =	shalt  }
0x79: {  	_ =	shalt  }
0x7a: {  	_ =	shalt  }
0x7b: {  	_ =	shalt  }
0x7c: {  	_ =	shalt  }
0x7d: {  	_ =	shalt  }
0x7e: {  	_ =	shalt  }
0x7f: {  	_ =	shalt  }
0x80: {  	_ =	shalt  }
0x81: {  	_ =	shalt  }
0x82: {  	_ =	shalt  }
0x83: {  	_ =	shalt  }
0x84: {  	_ =	shalt  }
0x85: {  	_ =	shalt  }
0x86: {  	_ =	shalt  }
0x87: {  	_ =	shalt  }
.Lfunc_end0:
.L_simem_size_0:
called_computation.1_lowered:
.L_overlay_start_0:
0x88: {  	s2 =	sld [smem:$0x3FD9]  }
0x89: {  	s3 =	sld [smem:$0x3FFE];
	_ =	sdelay $0x1  }
0x8a: {  	s1 =	srdreg.scid  }
0x8b: {  	s0 =	sand.u32 $0x1, s1  }
0x8c: {  	s16 =	sshll.u32 s0, $0xA;
	s2 =	sadd.s32 s3, s2  }
0x8d: {  	s2 =	sadd.s32 s2, s16  }
0x8e: {  	[smem:$0x3F94] =	sst s2  }
0x8f: {  	_ = 	snop  }
0x90: {  	(tm) =	ssettm $0x1  }
0x91: {  	s17 =	sld [smem:$0x3FFB];
	_ =	sdelay $0x3  }
0x92: {  	_ =	strace s17  }
0x93: {  	s2 =	sld [smem:$0x3FFC];
	_ =	sdelay $0x3  }
0x94: {  	_ =	strace s2  }
0x95: {  	s2 =	sld [smem:$0x3FFD];
	_ =	sdelay $0x3  }
0x96: {  	_ =	strace s2  }
0x97: {  	_ =	strace $0x8FFFFFFF  }
0x98: {  	s18 =	sld [smem:$0x3FDB];
	_ =	sdelay $0x1  }
0x99: {  	s19 =	simm.s32 $_scs_section_size  }
0x9a: {  	s4 =	simm.s32 $_size__tile_overlayer_lowered;
	s5 =	simm.s32 $_tile_overlayer_lowered  }
0x9b: {  	s22 =	simm.s32 $0x1BFF;
	s21 =	sshll.u32 s5, $0x1;
	s2 =	sadd.s32 s19, s18  }
0x9c: {  	s6 =	simm.s32 $0x0;
	s20 =	sshll.u32 s4, $0x1;
	s4 =	sadd.s32 s21, s2  }
0x9d: {  	[timem:s6], [sflag:s22] =	dma.local [hbm:s4], s20  }
0x9e: {  	_ =	swait.ge [sflag:s22], s20  }
0x9f: {  	s3 =	ssub.s32 $0x0, s20;
	[sflag:s22] =	ssyncset.done $0x0  }
0xa0: {  	[sflag:s22] =	ssyncadd.s32 s3;
	_ =	sdelay $0x1  }
0xa1: {  	s23 =	simm.s32 $0x1B8B  }
0xa2: {  	_ =	swait.ge [sflag:s23], $0x1  }
0xa3: {  	[sflag:s23] =	ssyncset.done $0x0  }
0xa4: {  	s25 =	simm.s32 $0x1B8E;
	s24 =	sld [smem:$0x3FFE];
	[sflag:s23] =	ssyncadd.s32 $0xFFFFFFFF  }
0xa5: {  	s26 =	simm.s32 $execute0_lowered;
	[smem:$0x3FD2] =	sst s25  }
0xa6: {  	s4 =	sshll.u32 s26, $0x1;
	_ =	strace $0x80000049;
	[dreg:$0x1] =	wrdreg $0xFFFFFFFF  }
0xa7: {  	s28 =	simm.s32 $_size_execute0_lowered;
	s2 =	sadd.s32 s2, s4;
	[dreg:$0x0] =	wrdreg $0x0  }
0xa8: {  	s4 =	sshll.u32 s28, $0x1;
	[dreg:$0x2] =	wrdreg s2  }
0xa9: {  	[dreg:$0x3] =	wrdreg s4  }
0xaa: {  	[dreg:$0x4] =	wrdreg $0xC0  }
0xab: {  	_ =	task [dreg:s6], $0x5FFFF  }
0xac: {  	[dreg:$0x1] =	wrdreg $0xFFFFFFFF  }
0xad: {  	[dreg:$0x0] =	wrdreg $0x60  }
0xae: {  	[dreg:$0x2] =	wrdreg s24  }
0xaf: {  	[dreg:$0x3] =	wrdreg $0xB5000  }
0xb0: {  	[dreg:$0x4] =	wrdreg $0x9  }
0xb1: {  	_ =	task.clear_ibuf [dreg:s6], $0x5FFFF;
	_ =	strace $0x90000049  }
0xb2: {  	s29 =	simm.s32 $0x9;
	_ =	strace $0x8000004B  }
0xb3: {  	_ =	swait.ge [sflag:s29], $0x1  }
0xb4: {  	[sflag:s29] =	ssyncadd.s32 $0xFFFFFFFF  }
0xb5: {  	_ =	strace $0x9000004B  }
0xb6: {  	_ =	sfence  }
0xb7: {  	s30 =	sld [smem:$0x0];
	_ =	sdelay $0x2  }
0xb8: {  	s31 =	sshll.u32 s1, $0xD;
	s1 =	sshrl.u32 s1, $0x2  }
0xb9: {  	s3 =	sand.u32 $0x4000, s31;
	s1 =	sadd.s32 s1, s30  }
0xba: {  	s0 =	sor.u32 s3, s0;
	s1 =	sshll.u32 s1, $0x11  }
0xbb: {  	s0 =	sor.u32 s1, s0  }
0xbc: {  	s0 =	sadd.s32 $0x8F2B, s0  }
0xbd: {  	[sflag:s0] =	ssyncadd.remote.s32 $0x1  }
0xbe: {  	_ =	sfence.sel $0xFFFF  }
0xbf: {  	[dreg:$0x0] =	wrdreg $0xFFFFFFFF;
	(pc) =	sbr.abs _section_cstart, $3  }
0xc0: {  	[dreg:$0x1] =	wrdreg $0xFFFFFFFF  }
0xc1: {  	_ =	task.clear_ibuf [dreg:s6], $0x2FFFF;
	_ =	strace $0x9FFFFFFF  }
0xc2: {  	(tm) =	ssettm $0x7FFFFFFF  }
0xc3: {  	_ =	shalt  }
tec
execute0_lowered:
.L_overlay_start_1:
0x0: {  	(tag) =	ssettag $0x1  }
0x1: {  	s9 =	rddreg [dreg:$0x0]  }
0x2: {  	s1 =	rddreg [dreg:$0x1]  }
0x3: {  	s2 =	simm.s32 $0x0;
	s3 =	srdreg.scid;
	s21 =	simm.s32 $0x2  }
0x4: {  	s22 =	simm.s32 $0x3;
	s23 =	simm.s32 $0x80;
	s24 =	simm.s32 $0x100  }
0x5: {  	s25 =	simm.s32 $0x4100;
	[smem:$0x7FF] =	sst s2;
	s4 =	sadd.s32 $0x4FCA00, s9  }
0x6: {  	s5 =	sadd.s32 $0x4F2C00, s9;
	s6 =	sand.u32 $0x1, s3;
	s3 =	stileid.u32  }
0x7: {  	s7 =	sadd.s32 $0x4E8E00, s9;
	s8 =	sadd.s32 $0x6E00, s9;
	s11 =	smul.u32 $0x4E000, s3  }
0x8: {  	s26 =	simm.s32 $0x1;
	s17 =	sadd.s32 $0x523C00, s9;
	s15 =	smul.u32 $0x138800, s6  }
0x9: {  	_ =	strace $0x8000004A;
	s10 =	ssub.s32 $0x2, s6;
	s16 =	smul.u32 $0x13800, s3  }
0xa: {  	s9 =	sshll.u32 s3, $0x1;
	p0 =	sne.s32 s3, $0xF;
	s30 =	sshrl.u32 s10, $0x1  }
0xb: {  	s19 =	ssub.s32 s10, s30;
	s31 =	sshrl.u32 s11, $0x2;
	s16 =	sadd.s32 s16, s15  }
.Ltmp0:
0xc: {  	s18 =	sshrl.u32 s15, $0x3;
	s10 =	sadd.s32 s31, s1;
	(pc) =	sbr.rel .LBB2_1-.Ltmp0, $4  }
0xd: {  	s20 =	sshrl.u32 s16, $0x3;
	s18 =	sadd.s32 s17, s18;
	s16 =	sadd.s32 $0x138000, s1  }
0xe: {  	s19 =	smax.u32 s19, $0x1;
	s11 =	sadd.s32 $0x3400, s10;
	s12 =	sadd.s32 $0x6800, s10  }
0xf: {  	s13 =	sadd.s32 $0x9C00, s10;
	s14 =	sadd.s32 $0xD000, s10;
	s15 =	sadd.s32 $0x10400, s10  }
0x10: {  	v0 =	vimm.f32 $0.0e+00;
	s17 =	sadd.s32 s17, s20;
	s18 =	sadd.s32 $0x27000, s18;
	s20 =	simm.s32 $0x8100  }
.LBB2_9:
0x11: {  	s0 =	sshll.u32 s3, $0x6  }
0x12: {  	[bflag:$0x0] =	sbarrier.arrive $0xFFFF;
	s28 =	sshrl.u32 s10, $0x3;
	s0 =	sor.u32 $0x1C02, s0  }
0x13: {  	[hbm:s17], [sflag:s0] =	dma.local [spmem:s28], $0x2700  }
0x14: {  	_ =	swait.ge [sflag:s21], $0x2700  }
0x15: {  	s2 =	sadd.s32 $0x1, s2;
	[sflag:s21] =	ssyncset.done $0x0  }
0x16: {  	p1 =	sne.s32 s2, s19;
	s28 =	sshrl.u32 @!p0 s16, $0x3;
	[sflag:s21] =	ssyncadd.s32 $0xFFFFD900  }
0x17: {  	[hbm:s18], [sflag:s0] =	dma.local @!p0 [spmem:s28], $0x100  }
.Ltmp1:
0x18: {  	_ = 	snop;
	(pc) =	sbr.rel @!p1 .LBB2_10-.Ltmp1, $4  }
0x19: {  	s0 =	simm.s32 @!p0 $0x2  }
0x1a: {  	_ =	swait.ge @!p0 [sflag:s0], $0x100  }
0x1b: {  	[sflag:s0] =	ssyncset.done @!p0 $0x0  }
0x1c: {  	[sflag:s0] =	ssyncadd.s32 @!p0 $0xFFFFFF00  }
.LBB2_1:
0x1d: {  	s28 =	simm.s32 $0x0;
	s29 =	simm.s32 $0x200  }
.LBB2_2:
0x1e: {  	p1 =	sne.s32 s29, $0xCE00;
	[tilespmem:s28+$0x8170] =	vst v0  }
0x1f: {  	[tilespmem:s28+$0x8100] =	vst v0  }
0x20: {  	[tilespmem:s28+$0x8110] =	vst v0  }
.Ltmp2:
0x21: {  	[tilespmem:s28+$0x8120] =	vst v0;
	(pc) =	sbr.rel @p1 .LBB2_2-.Ltmp2, $4  }
0x22: {  	[tilespmem:s28+$0x8130] =	vst v0  }
0x23: {  	[tilespmem:s28+$0x8140] =	vst v0  }
0x24: {  	[tilespmem:s28+$0x8150] =	vst v0  }
0x25: {  	[tilespmem:s28+$0x8160] =	vst v0;
	s28 =	sshra.s32 s29, $0x2;
	s29 =	sadd.s32 $0x200, s29  }
0x26: {  	[tilespmem:s28+$0x8170] =	vst v0  }
0x27: {  	[tilespmem:s28+$0x8100] =	vst v0  }
0x28: {  	[tilespmem:s28+$0x8110] =	vst v0  }
0x29: {  	[tilespmem:s28+$0x8120] =	vst v0  }
0x2a: {  	[tilespmem:s28+$0x8130] =	vst v0  }
0x2b: {  	[tilespmem:s28+$0x8140] =	vst v0  }
0x2c: {  	[tilespmem:s28+$0x8150] =	vst v0  }
0x2d: {  	[tilespmem:s28+$0x8160] =	vst v0  }
0x2e: {  	[spmem:s10] =	stream.linear.scatter [tilespmem:s20], [sflag:$0x2], $0x3400, $0x38;
	[tilespmem:$0x1ED80] =	vst v63  }
0x2f: {  	_ =	swait.ge [sflag:s21], $0x3400  }
0x30: {  	[sflag:s21] =	ssyncset.done $0x0  }
0x31: {  	[sflag:s21] =	ssyncadd.s32 $0xFFFFCC00  }
0x32: {  	[spmem:s11] =	stream.linear.scatter [tilespmem:s20], [sflag:$0x2], $0x3400, $0x38;
	[tilespmem:$0x1ED80] =	vst v63  }
0x33: {  	_ =	swait.ge [sflag:s21], $0x3400  }
0x34: {  	[sflag:s21] =	ssyncset.done $0x0  }
0x35: {  	[sflag:s21] =	ssyncadd.s32 $0xFFFFCC00  }
0x36: {  	[spmem:s12] =	stream.linear.scatter [tilespmem:s20], [sflag:$0x2], $0x3400, $0x38;
	[tilespmem:$0x1ED80] =	vst v63  }
0x37: {  	_ =	swait.ge [sflag:s21], $0x3400  }
0x38: {  	[sflag:s21] =	ssyncset.done $0x0  }
0x39: {  	[sflag:s21] =	ssyncadd.s32 $0xFFFFCC00  }
0x3a: {  	[spmem:s13] =	stream.linear.scatter [tilespmem:s20], [sflag:$0x2], $0x3400, $0x38;
	[tilespmem:$0x1ED80] =	vst v63  }
0x3b: {  	_ =	swait.ge [sflag:s21], $0x3400  }
0x3c: {  	[sflag:s21] =	ssyncset.done $0x0  }
0x3d: {  	[sflag:s21] =	ssyncadd.s32 $0xFFFFCC00  }
0x3e: {  	[spmem:s14] =	stream.linear.scatter [tilespmem:s20], [sflag:$0x2], $0x3400, $0x38;
	[tilespmem:$0x1ED80] =	vst v63  }
0x3f: {  	_ =	swait.ge [sflag:s21], $0x3400  }
0x40: {  	[sflag:s21] =	ssyncset.done $0x0  }
0x41: {  	[sflag:s21] =	ssyncadd.s32 $0xFFFFCC00  }
0x42: {  	[spmem:s15] =	stream.linear.scatter [tilespmem:s20], [sflag:$0x2], $0x3400, $0x38;
	[tilespmem:$0x1ED80] =	vst v63  }
0x43: {  	_ =	swait.ge [sflag:s21], $0x3400  }
0x44: {  	[sflag:s21] =	ssyncset.done $0x0  }
0x45: {  	s28 =	simm.s32 @!p0 $0x8100;
	[sflag:s21] =	ssyncadd.s32 $0xFFFFCC00  }
0x46: {  	[spmem:s16] =	stream.linear.scatter @!p0 [tilespmem:s28], [sflag:$0x2], $0x800, $0x38;
	[tilespmem:$0x1ED80] =	vst v63  }
0x47: {  	s28 =	simm.s32 @!p0 $0x2  }
.Ltmp3:
0x48: {  	_ =	swait.ge @!p0 [sflag:s28], $0x800;
	(pc) =	sbr.rel .LBB2_4-.Ltmp3, $4  }
0x49: {  	[sflag:s28] =	ssyncset.done @!p0 $0x0  }
0x4a: {  	[sflag:s28] =	ssyncadd.s32 @!p0 $0xFFFFF800  }
0x4b: {  	[bflag:$0x0] =	sbarrier.arrive $0xFFFF  }
0x4c: {  	s28 =	simm.s32 $0x0  }
.LBB2_8:
0x4d: {  	s28 =	sadd.s32 $0x1, s28  }
0x4e: {  	p1 =	sne.s32 s28, $0x4F  }
.Ltmp4:
0x4f: {  	_ = 	snop;
	(pc) =	sbr.rel @!p1 .LBB2_9-.Ltmp4, $1  }
0x50: {  	_ =	sdelay $0x3  }
.LBB2_4:
0x51: {  	s29 =	sshll.u32 s28, $0x5  }
0x52: {  	s29 =	sor.u32 s9, s29  }
0x53: {  	p1 =	sgt.u32 s29, $0x9C3  }
.Ltmp5:
0x54: {  	_ = 	snop;
	(pc) =	sbr.rel @p1 .LBB2_8-.Ltmp5, $1  }
0x55: {  	_ =	sdelay $0x3  }
0x56: {  	s29 =	sor.u32 s6, s29  }
0x57: {  	s30 =	sshll.u32 s29, $0x4  }
0x58: {  	s0 =	simm.s32 $0x0;
	s31 =	sadd.s32 s5, s30  }
0x59: {  	[tilespmem:s0], [sflag:$0x3] =	stream.linear.gather [hbm4b:s31+s0], $0x80, $0x38;
	[tilespmem:$0x1ED80] =	vst v63  }
0x5a: {  	_ =	swait.ge [sflag:s22], $0x80  }
0x5b: {  	[sflag:s22] =	ssyncset.done $0x0  }
0x5c: {  	s30 =	sadd.s32 s7, s30;
	[sflag:s22] =	ssyncadd.s32 $0xFFFFFF80  }
0x5d: {  	[tilespmem:s23], [sflag:$0x3] =	stream.linear.gather [hbm4b:s30+s0], $0x80, $0x38;
	[tilespmem:$0x1ED80] =	vst v63  }
0x5e: {  	_ =	swait.ge [sflag:s22], $0x80  }
0x5f: {  	[sflag:s22] =	ssyncset.done $0x0  }
0x60: {  	s29 =	sshll.u32 s29, $0xB;
	[sflag:s22] =	ssyncadd.s32 $0xFFFFFF80  }
0x61: {  	[tilespmem:s24], [sflag:$0x1] =	stream.indirect.gather [hbm4b:s4+s23], $0x80, s0, s23, $0xb8;
	[tilespmem:$0x1ED80] =	vst v63  }
0x62: {  	s29 =	sadd.s32 s8, s29  }
0x63: {  	[tilespmem:s25], [sflag:$0x3] =	stream.linear.gather [hbm4b:s29+s0], $0x4000, $0x38;
	[tilespmem:$0x1ED80] =	vst v63  }
0x64: {  	_ =	swait.ge [sflag:s22], $0x4000  }
0x65: {  	[sflag:s22] =	ssyncset.done $0x0  }
0x66: {  	[sflag:s22] =	ssyncadd.s32 $0xFFFFC000  }
0x67: {  	_ =	swait.ge [sflag:s26], $0x4000  }
0x68: {  	[sflag:s26] =	ssyncset.done $0x0  }
0x69: {  	s29 =	simm.s32 $0x0;
	[sflag:s26] =	ssyncadd.s32 $0xFFFFC000  }
0x6a: {  	v5 =	vld [tilespmem:s29+$0x4100]  }
0x6b: {  	v3 =	vld [tilespmem:s29+$0x4110]  }
0x6c: {  	v2 =	vld [tilespmem:s29+$0x4120]  }
0x6d: {  	v4 =	vld [tilespmem:s29+$0x4130]  }
0x6e: {  	v1 =	vld [tilespmem:s29+$0x4130]  }
0x6f: {  	v6 =	vld [tilespmem:s29+$0x100]  }
0x70: {  	v11 =	vld [tilespmem:s29+$0x110]  }
0x71: {  	v10 =	vld [tilespmem:s29+$0x120]  }
0x72: {  	v9 =	vld [tilespmem:s29+$0x130]  }
0x73: {  	v8 =	vld [tilespmem:s29+$0x140]  }
0x74: {  	v7 =	vld [tilespmem:s29+$0x150];
	v12 =	vadd.f32 v6, v5  }
0x75: {  	s30 =	simm.s32 $0x200;
	v11 =	vadd.f32 v11, v3;
	v6 =	vld [tilespmem:s29+$0x160]  }
.LBB2_6:
0x76: {  	s0 =	sshra.s32 s30, $0x2;
	p1 =	sne.s32 s30, $0xFE00;
	v12 =	vmax.f32 v12, $0.0e+00;
	v10 =	vadd.f32 v10, v2;
	v13 =	vld [tilespmem:s29+$0x170]  }
0x77: {  	v14 =	vld [tilespmem:s0+$0x4100];
	[tilespmem:s29+$0x100] =	vst v12;
	v11 =	vmax.f32 v11, $0.0e+00;
	v4 =	vadd.f32 v9, v4  }
0x78: {  	v9 =	vld [tilespmem:s0+$0x4110];
	[tilespmem:s29+$0x110] =	vst v11;
	v10 =	vmax.f32 v10, $0.0e+00;
	v5 =	vadd.f32 v8, v5  }
0x79: {  	v8 =	vld [tilespmem:s0+$0x4120];
	[tilespmem:s29+$0x120] =	vst v10;
	v10 =	vmax.f32 v4, $0.0e+00;
	v3 =	vadd.f32 v7, v3  }
0x7a: {  	v4 =	vld [tilespmem:s0+$0x4130];
	[tilespmem:s29+$0x130] =	vst v10;
	v10 =	vmax.f32 v5, $0.0e+00;
	v2 =	vadd.f32 v6, v2  }
0x7b: {  	[tilespmem:s29+$0x140] =	vst v10;
	v10 =	vmax.f32 v3, $0.0e+00;
	v6 =	vadd.f32 v13, v1;
	v1 =	vld [tilespmem:s0+$0x4130]  }
0x7c: {  	v7 =	vld [tilespmem:s0+$0x100];
	[tilespmem:s29+$0x150] =	vst v10;
	v12 =	vmax.f32 v2, $0.0e+00;
	v5 =	vmov v14  }
0x7d: {  	v11 =	vld [tilespmem:s0+$0x110];
	[tilespmem:s29+$0x160] =	vst v12;
	v6 =	vmax.f32 v6, $0.0e+00;
	v3 =	vmov v9  }
.Ltmp6:
0x7e: {  	v10 =	vld [tilespmem:s0+$0x120];
	[tilespmem:s29+$0x170] =	vst v6;
	v2 =	vmov v8;
	s29 =	smov.u32 s0;
	(pc) =	sbr.rel @p1 .LBB2_6-.Ltmp6, $4  }
0x7f: {  	v9 =	vld [tilespmem:s29+$0x130]  }
0x80: {  	v8 =	vld [tilespmem:s29+$0x140]  }
0x81: {  	v12 =	vadd.f32 v7, v5;
	v7 =	vld [tilespmem:s29+$0x150]  }
0x82: {  	s30 =	sadd.s32 $0x200, s30;
	v11 =	vadd.f32 v11, v3;
	v6 =	vld [tilespmem:s29+$0x160]  }
0x83: {  	v12 =	vmax.f32 v12, $0.0e+00;
	v10 =	vadd.f32 v10, v2;
	v13 =	vld [tilespmem:s29+$0x170]  }
0x84: {  	[tilespmem:s29+$0x100] =	vst v12;
	v11 =	vmax.f32 v11, $0.0e+00;
	v4 =	vadd.f32 v9, v4  }
0x85: {  	[tilespmem:s29+$0x110] =	vst v11;
	v62 =	vmax.f32 v10, $0.0e+00;
	v5 =	vadd.f32 v8, v5  }
0x86: {  	[tilespmem:s29+$0x120] =	vst v62;
	v4 =	vmax.f32 v4, $0.0e+00;
	v3 =	vadd.f32 v7, v3  }
0x87: {  	[tilespmem:s29+$0x130] =	vst v4;
	v63 =	vmax.f32 v5, $0.0e+00;
	v2 =	vadd.f32 v6, v2  }
0x88: {  	[tilespmem:s29+$0x140] =	vst v63;
	v3 =	vmax.f32 v3, $0.0e+00;
	v1 =	vadd.f32 v13, v1  }
0x89: {  	[tilespmem:s29+$0x150] =	vst v3;
	v2 =	vmax.f32 v2, $0.0e+00  }
0x8a: {  	[tilespmem:s29+$0x160] =	vst v2;
	v1 =	vmax.f32 v1, $0.0e+00  }
.Ltmp7:
0x8b: {  	[tilespmem:s29+$0x170] =	vst v1;
	(pc) =	sbr.rel .LBB2_8-.Ltmp7, $4  }
0x8c: {  	[spmem:s1] =	stream.indirect.scatter.add.f32 [tilespmem:s24], [sflag:$0x2], $0x80, s23, s23, $0xb8;
	[tilespmem:$0x1ED80] =	vst v63  }
0x8d: {  	_ =	swait.ge [sflag:s21], $0x4000  }
0x8e: {  	[sflag:s21] =	ssyncset.done $0x0  }
0x8f: {  	[sflag:s21] =	ssyncadd.s32 $0xFFFFC000  }
.LBB2_10:
0x90: {  	_ =	sfence.sel $0x180000  }
0x91: {  	[bflag:$0x0] =	sbarrier.arrive $0xFFFF  }
0x92: {  	_ =	strace $0x9000004A  }
0x93: {  	[bflag:$0x2] =	sbarrier.arrive $0xFFFF  }
0x94: {  	p0 =	sne.s32 s3, $0x0;
	s0 =	rddreg [dreg:$0x2]  }
0x95: {  	s0 =	sadd.s32 @!p0 $0x100000, s0  }
0x96: {  	[sflag:s0] =	ssyncadd.tile.s32 @!p0 $0x1;
	_ =	shalt  }
.Lfunc_end2:
_tile_overlayer_lowered:
.L_overlay_start_2:
0x97: {  	(tag) =	ssettag $0x2  }
0x98: {  	s0 =	rddreg [dreg:$0x0];
	s2 =	stileid.u32  }
0x99: {  	s1 =	rddreg [dreg:$0x1];
	p0 =	sne.s32 s2, $0x0  }
0x9a: {  	s3 =	rddreg [dreg:$0x2];
	[bflag:$0x3] =	sbarrier.arrive $0xFFFF;
	s2 =	simm.s32 @!p0 $0x1C02  }
0x9b: {  	[timem:s3], [sflag:s2] =	dma.local @!p0 [hbm:s0], s1  }
0x9c: {  	s0 =	simm.s32 @!p0 $0x2  }
0x9d: {  	_ =	swait.ge @!p0 [sflag:s0], s1  }
0x9e: {  	s1 =	ssub.s32 @!p0 $0x0, s1;
	[sflag:s0] =	ssyncset.done @!p0 $0x0  }
0x9f: {  	[sflag:s0] =	ssyncadd.s32 @!p0 s1  }
0xa0: {  	[bflag:$0x3] =	sbarrier.arrive $0xFFFF  }
0xa1: {  	_ =	shalt  }

</sc_bundles>
